<compile_context>
chip_gen: v7x
topology: tpu7x:2x2x1
jax: 0.10.2.dev20260603
libtpu: 0.0.44.dev20260713+nightly
codegen_flags: <defaults>
</compile_context>

<pallas_src>
import functools

import jax
import jax.numpy as jnp
from jax import lax
from jax.experimental import pallas as pl
from jax.experimental.pallas import tpu as pltpu

B, C = 16384, 100
M = 1000000
BLK_B = 2048
GRID = B // BLK_B


def _dense_body(ow_ref, os_ref, tgt_ref, rev_ref, loss_ref, acc_ref):
    i = pl.program_id(0)

    w = ow_ref[...]
    s = os_ref[...]
    t = tgt_ref[...]

    mw = jnp.max(w, axis=1, keepdims=True)
    ew = jnp.exp(w - mw)
    sw = jnp.sum(ew, axis=1, keepdims=True)
    pw = ew / sw
    logpw = (w - mw) - jnp.log(sw)

    ms = jnp.max(s, axis=1, keepdims=True)
    es = jnp.exp(s - ms)
    ss = jnp.sum(es, axis=1, keepdims=True)
    ps = es / ss
    logps = (s - ms) - jnp.log(ss)

    pos = t > 0.0
    neg = jnp.where(pos, 0.0, 1.0)
    sup = neg * (-jnp.log(jnp.abs(1.0 - pw) + 1e-9)
                 - jnp.log(jnp.abs(1.0 - ps) + 1e-9))
    kl = 2.0 * jnp.where(pos, t * jnp.log(jnp.where(pos, t, 1.0)), 0.0) \
        - t * (logpw + logps)
    partial = jnp.sum(sup) + jnp.sum(kl)

    g = jnp.where(pos, jnp.sqrt(pw * ps), 0.0)
    rev_ref[...] = g / (jnp.sum(g, axis=1, keepdims=True) + 1e-9)

    @pl.when(i == 0)
    def _():
        acc_ref[0] = 0.0

    acc_ref[0] += partial

    @pl.when(i == GRID - 1)
    def _():
        loss_ref[0, 0] = acc_ref[0] * (1.0 / B)


_dense = pl.pallas_call(
    _dense_body,
    grid=(GRID,),
    in_specs=[
        pl.BlockSpec((BLK_B, C), lambda i: (i, 0)),
        pl.BlockSpec((BLK_B, C), lambda i: (i, 0)),
        pl.BlockSpec((BLK_B, C), lambda i: (i, 0)),
    ],
    out_specs=[
        pl.BlockSpec((BLK_B, C), lambda i: (i, 0)),
        pl.BlockSpec((1, 1), lambda i: (0, 0), memory_space=pltpu.SMEM),
    ],
    out_shape=[
        jax.ShapeDtypeStruct((B, C), jnp.float32),
        jax.ShapeDtypeStruct((1, 1), jnp.float32),
    ],
    scratch_shapes=[pltpu.SMEM((1,), jnp.float32)],
)


def _apply_body(sidx_ref, osrc_ref, conf_ref, rev_ref, out_ref, sem):
    del conf_ref

    def issue(k, _):
        pltpu.make_async_copy(
            rev_ref.at[pl.ds(osrc_ref[k], 1), :],
            out_ref.at[pl.ds(sidx_ref[k], 1), :],
            sem,
        ).start()
        return 0

    lax.fori_loop(0, B, issue, 0, unroll=8)

    pltpu.make_async_copy(
        rev_ref.at[pl.ds(0, B), :],
        out_ref.at[pl.ds(0, B), :],
        sem,
    ).wait()


_apply = pl.pallas_call(
    _apply_body,
    grid_spec=pltpu.PrefetchScalarGridSpec(
        num_scalar_prefetch=2,
        grid=(1,),
        in_specs=[
            pl.BlockSpec(memory_space=pl.ANY),
            pl.BlockSpec((B, C), lambda i, *_: (0, 0)),
        ],
        out_specs=pl.BlockSpec(memory_space=pl.ANY),
        scratch_shapes=[pltpu.SemaphoreType.DMA],
    ),
    out_shape=jax.ShapeDtypeStruct((M, C), jnp.float32),
    input_output_aliases={2: 0},
)


def kernel(output_w, output_s, index, confidence):
    index = index.astype(jnp.int32)
    target = jnp.take(confidence, index, axis=0)
    rev, loss = _dense(output_w, output_s, target)

    order = jnp.argsort(index).astype(jnp.int32)
    sidx = jnp.take(index, order)
    pos = jnp.arange(B, dtype=jnp.int32)
    is_last = jnp.concatenate(
        [sidx[:-1] != sidx[1:], jnp.ones((1,), dtype=bool)])
    lastpos = lax.cummin(jnp.where(is_last, pos, B - 1), reverse=True)
    osrc = jnp.take(order, lastpos)

    new_confidence = _apply(sidx, osrc, confidence, rev)
    return loss[0, 0], new_confidence

# --- scband reference (transcript-rebuilt; emitter-appended) ---
"""Pipeline reference for scband-corr-loss-37546604102100 (READ-ONLY COPY).

The authoritative reference and input builder live on the scoring server;
editing this copy changes nothing except your own understanding.
"""

import jax, jax.numpy as jnp
import numpy as np
from jax.scipy.special import xlogy

M, C, B = 1000000, 100, 16384

def setup_inputs(seed: int = 0) -> dict:
    key = jax.random.key(seed)
    k1, k2, k3, k4, k5 = jax.random.split(key, 5)
    output_w = jax.random.normal(k1, (B, C), dtype=jnp.float32)
    output_s = jax.random.normal(k2, (B, C), dtype=jnp.float32)
    index = jax.random.randint(k3, (B,), 0, M)
    # Confidence table: sparse nonneg rows (partial-label style), rows ~sum to 1.
    raw = jax.random.uniform(k4, (M, C), dtype=jnp.float32)
    mask = jax.random.uniform(k5, (M, C)) < 0.3
    conf = jnp.where(mask, raw, 0.0)
    conf = conf / (conf.sum(axis=1, keepdims=True) + 1e-9)
    return {"output_w": output_w, "output_s": output_s, "index": index, "confidence": conf}

def reference(output_w, output_s, index, confidence):
    pred_s = jax.nn.softmax(output_s, axis=1)
    pred_w = jax.nn.softmax(output_w, axis=1)
    # gather rows from the big confidence memory
    target = jnp.take(confidence, index, axis=0)
    neg = (target == 0).astype(jnp.float32)
    sup_loss = neg * (-jnp.log(jnp.abs(1.0 - pred_w) + 1e-9) - jnp.log(jnp.abs(1.0 - pred_s) + 1e-9))
    sup_loss1 = jnp.sum(sup_loss) / sup_loss.shape[0]
    logp_w = jax.nn.log_softmax(output_w, axis=1)
    logp_s = jax.nn.log_softmax(output_s, axis=1)
    def kl_batchmean(logp, tgt):
        # torch F.kl_div(input=logp, target=tgt, reduction='batchmean') = sum(tgt*(log tgt - logp))/B, xlogy handles tgt==0
        return jnp.sum(xlogy(tgt, tgt) - tgt * logp) / tgt.shape[0]
    con_loss = kl_batchmean(logp_w, target) + kl_batchmean(logp_s, target)
    loss = sup_loss1 + con_loss
    # update_target=True branch: recompute pseudo-targets and scatter-overwrite
    revisedY = jnp.where(target > 0, 1.0, target)
    revisedY_s = revisedY * pred_s
    revisedY_w = revisedY * pred_w
    rev = jnp.sqrt(revisedY_s * revisedY_w)
    rev = rev / (rev.sum(axis=1, keepdims=True) + 1e-9)
    new_confidence = confidence.at[index, :].set(jax.lax.stop_gradient(rev))
    return loss, new_confidence

if __name__ == "__main__":
    import jax
    _d = setup_inputs()
    print(jax.jit(kernel)(*tuple(_d.values())))

</pallas_src>

<mosaic_0001>
module attributes {stable_mosaic.version = 14 : i64} {
  func.func @_dense_body(%arg0: i32, %arg1: memref<2048x100xf32, #tpu.memory_space<vmem>>, %arg2: memref<2048x100xf32, #tpu.memory_space<vmem>>, %arg3: memref<2048x100xf32, #tpu.memory_space<vmem>>, %arg4: memref<2048x100xf32, #tpu.memory_space<vmem>>, %arg5: memref<1x1xf32, #tpu.memory_space<smem>>, %arg6: memref<1xf32, #tpu.memory_space<smem>>) attributes {dimension_semantics = [#tpu.dimension_semantics<arbitrary>], iteration_bounds = array<i64: 8>, scalar_prefetch = 0 : i64, scratch_operands = 1 : i64, tpu.core_type = #tpu.core_type<tc>, window_params = [{transform_indices = @transform_0, window_bounds = array<i64: 2048, 100>}, {transform_indices = @transform_1, window_bounds = array<i64: 2048, 100>}, {transform_indices = @transform_2, window_bounds = array<i64: 2048, 100>}, {transform_indices = @transform_3, window_bounds = array<i64: 2048, 100>}, {transform_indices = @transform_4, window_bounds = array<i64: 1, 1>}]} {
    %get3A = arith.constant 0 : index
    %get3A_0 = arith.constant 0 : index
    %get3A_1 = vector.load %arg1[%get3A, %get3A_0] : memref<2048x100xf32, #tpu.memory_space<vmem>>, vector<2048x100xf32>
    %get3A_2 = arith.constant 0 : index
    %get3A_3 = arith.constant 0 : index
    %get3A_4 = vector.load %arg2[%get3A_2, %get3A_3] : memref<2048x100xf32, #tpu.memory_space<vmem>>, vector<2048x100xf32>
    %get3A_5 = arith.constant 0 : index
    %get3A_6 = arith.constant 0 : index
    %get3A_7 = vector.load %arg3[%get3A_5, %get3A_6] : memref<2048x100xf32, #tpu.memory_space<vmem>>, vector<2048x100xf32>
    %reduce_max3A = arith.constant dense<0xFF800000> : vector<2048xf32>
    %reduce_max3A_8 = vector.multi_reduction <maximumf>, %get3A_1, %reduce_max3A [1] : vector<2048x100xf32> to vector<2048xf32>
    %broadcast_in_dim3A = vector.shape_cast %reduce_max3A_8 : vector<2048xf32> to vector<2048x1xf32>
    %sub3A = vector.broadcast %broadcast_in_dim3A : vector<2048x1xf32> to vector<2048x100xf32>
    %sub3A_9 = arith.subf %get3A_1, %sub3A : vector<2048x100xf32>
    %exp3A = math.exp %sub3A_9 : vector<2048x100xf32>
    %reduce_sum3A = arith.constant dense<0.000000e+00> : vector<2048xf32>
    %reduce_sum3A_10 = vector.multi_reduction <add>, %exp3A, %reduce_sum3A [1] : vector<2048x100xf32> to vector<2048xf32>
    %broadcast_in_dim3A_11 = vector.shape_cast %reduce_sum3A_10 : vector<2048xf32> to vector<2048x1xf32>
    %div3A = vector.broadcast %broadcast_in_dim3A_11 : vector<2048x1xf32> to vector<2048x100xf32>
    %div3A_12 = arith.divf %exp3A, %div3A : vector<2048x100xf32>
    %sub3A_13 = vector.broadcast %broadcast_in_dim3A : vector<2048x1xf32> to vector<2048x100xf32>
    %sub3A_14 = arith.subf %get3A_1, %sub3A_13 : vector<2048x100xf32>
    %log3A = math.log %broadcast_in_dim3A_11 : vector<2048x1xf32>
    %sub3A_15 = vector.broadcast %log3A : vector<2048x1xf32> to vector<2048x100xf32>
    %sub3A_16 = arith.subf %sub3A_14, %sub3A_15 : vector<2048x100xf32>
    %reduce_max3A_17 = arith.constant dense<0xFF800000> : vector<2048xf32>
    %reduce_max3A_18 = vector.multi_reduction <maximumf>, %get3A_4, %reduce_max3A_17 [1] : vector<2048x100xf32> to vector<2048xf32>
    %broadcast_in_dim3A_19 = vector.shape_cast %reduce_max3A_18 : vector<2048xf32> to vector<2048x1xf32>
    %sub3A_20 = vector.broadcast %broadcast_in_dim3A_19 : vector<2048x1xf32> to vector<2048x100xf32>
    %sub3A_21 = arith.subf %get3A_4, %sub3A_20 : vector<2048x100xf32>
    %exp3A_22 = math.exp %sub3A_21 : vector<2048x100xf32>
    %reduce_sum3A_23 = arith.constant dense<0.000000e+00> : vector<2048xf32>
    %reduce_sum3A_24 = vector.multi_reduction <add>, %exp3A_22, %reduce_sum3A_23 [1] : vector<2048x100xf32> to vector<2048xf32>
    %broadcast_in_dim3A_25 = vector.shape_cast %reduce_sum3A_24 : vector<2048xf32> to vector<2048x1xf32>
    %div3A_26 = vector.broadcast %broadcast_in_dim3A_25 : vector<2048x1xf32> to vector<2048x100xf32>
    %div3A_27 = arith.divf %exp3A_22, %div3A_26 : vector<2048x100xf32>
    %sub3A_28 = vector.broadcast %broadcast_in_dim3A_19 : vector<2048x1xf32> to vector<2048x100xf32>
    %sub3A_29 = arith.subf %get3A_4, %sub3A_28 : vector<2048x100xf32>
    %log3A_30 = math.log %broadcast_in_dim3A_25 : vector<2048x1xf32>
    %sub3A_31 = vector.broadcast %log3A_30 : vector<2048x1xf32> to vector<2048x100xf32>
    %sub3A_32 = arith.subf %sub3A_29, %sub3A_31 : vector<2048x100xf32>
    %gt3A = arith.constant 0.000000e+00 : f32
    %gt3A_33 = vector.broadcast %gt3A : f32 to vector<2048x100xf32>
    %gt3A_34 = arith.cmpf ogt, %get3A_7, %gt3A_33 : vector<2048x100xf32>
    %jit3A = arith.constant 0.000000e+00 : f32
    %jit3A_35 = arith.constant 1.000000e+00 : f32
    %broadcast_in_dim3A_36 = vector.broadcast %jit3A : f32 to vector<2048x100xf32>
    %broadcast_in_dim3A_37 = vector.broadcast %jit3A_35 : f32 to vector<2048x100xf32>
    %select_n3A = arith.select %gt3A_34, %broadcast_in_dim3A_36, %broadcast_in_dim3A_37 : vector<2048x100xi1>, vector<2048x100xf32>
    %sub3A_38 = arith.constant 1.000000e+00 : f32
    %sub3A_39 = vector.broadcast %sub3A_38 : f32 to vector<2048x100xf32>
    %sub3A_40 = arith.subf %sub3A_39, %div3A_12 : vector<2048x100xf32>
    %abs3A = math.absf %sub3A_40 : vector<2048x100xf32>
    %add3A = arith.constant 9.99999971E-10 : f32
    %add3A_41 = vector.broadcast %add3A : f32 to vector<2048x100xf32>
    %add3A_42 = arith.addf %abs3A, %add3A_41 : vector<2048x100xf32>
    %log3A_43 = math.log %add3A_42 : vector<2048x100xf32>
    %neg3A = arith.constant 0.000000e+00 : f32
    %neg3A_44 = vector.broadcast %neg3A : f32 to vector<2048x100xf32>
    %neg3A_45 = arith.subf %neg3A_44, %log3A_43 : vector<2048x100xf32>
    %sub3A_46 = arith.constant 1.000000e+00 : f32
    %sub3A_47 = vector.broadcast %sub3A_46 : f32 to vector<2048x100xf32>
    %sub3A_48 = arith.subf %sub3A_47, %div3A_27 : vector<2048x100xf32>
    %abs3A_49 = math.absf %sub3A_48 : vector<2048x100xf32>
    %add3A_50 = arith.constant 9.99999971E-10 : f32
    %add3A_51 = vector.broadcast %add3A_50 : f32 to vector<2048x100xf32>
    %add3A_52 = arith.addf %abs3A_49, %add3A_51 : vector<2048x100xf32>
    %log3A_53 = math.log %add3A_52 : vector<2048x100xf32>
    %sub3A_54 = arith.subf %neg3A_45, %log3A_53 : vector<2048x100xf32>
    %mul3A = arith.mulf %select_n3A, %sub3A_54 : vector<2048x100xf32>
    %jit3A_55 = arith.constant 1.000000e+00 : f32
    %broadcast_in_dim3A_56 = vector.broadcast %jit3A_55 : f32 to vector<2048x100xf32>
    %select_n3A_57 = arith.select %gt3A_34, %get3A_7, %broadcast_in_dim3A_56 : vector<2048x100xi1>, vector<2048x100xf32>
    %log3A_58 = math.log %select_n3A_57 : vector<2048x100xf32>
    %mul3A_59 = arith.mulf %get3A_7, %log3A_58 : vector<2048x100xf32>
    %jit3A_60 = arith.constant 0.000000e+00 : f32
    %broadcast_in_dim3A_61 = vector.broadcast %jit3A_60 : f32 to vector<2048x100xf32>
    %select_n3A_62 = arith.select %gt3A_34, %mul3A_59, %broadcast_in_dim3A_61 : vector<2048x100xi1>, vector<2048x100xf32>
    %mul3A_63 = arith.constant 2.000000e+00 : f32
    %mul3A_64 = vector.broadcast %mul3A_63 : f32 to vector<2048x100xf32>
    %mul3A_65 = arith.mulf %mul3A_64, %select_n3A_62 : vector<2048x100xf32>
    %add3A_66 = arith.addf %sub3A_16, %sub3A_32 : vector<2048x100xf32>
    %mul3A_67 = arith.mulf %get3A_7, %add3A_66 : vector<2048x100xf32>
    %sub3A_68 = arith.subf %mul3A_65, %mul3A_67 : vector<2048x100xf32>
    %reduce_sum3A_69 = vector.shape_cast %mul3A : vector<2048x100xf32> to vector<1x2048x100xf32>
    %reduce_sum3A_70 = arith.constant dense<0.000000e+00> : vector<1xf32>
    %reduce_sum3A_71 = vector.multi_reduction <add>, %reduce_sum3A_69, %reduce_sum3A_70 [1, 2] : vector<1x2048x100xf32> to vector<1xf32>
    %reduce_sum3A_72 = vector.shape_cast %reduce_sum3A_71 : vector<1xf32> to vector<1x1x1xf32>
    %reduce_sum3A_73 = vector.extract %reduce_sum3A_72[0, 0, 0] : f32 from vector<1x1x1xf32>
    %reduce_sum3A_74 = vector.shape_cast %sub3A_68 : vector<2048x100xf32> to vector<1x2048x100xf32>
    %reduce_sum3A_75 = arith.constant dense<0.000000e+00> : vector<1xf32>
    %reduce_sum3A_76 = vector.multi_reduction <add>, %reduce_sum3A_74, %reduce_sum3A_75 [1, 2] : vector<1x2048x100xf32> to vector<1xf32>
    %reduce_sum3A_77 = vector.shape_cast %reduce_sum3A_76 : vector<1xf32> to vector<1x1x1xf32>
    %reduce_sum3A_78 = vector.extract %reduce_sum3A_77[0, 0, 0] : f32 from vector<1x1x1xf32>
    %add3A_79 = arith.addf %reduce_sum3A_73, %reduce_sum3A_78 : f32
    %mul3A_80 = arith.mulf %div3A_12, %div3A_27 : vector<2048x100xf32>
    %sqrt3A = math.sqrt %mul3A_80 : vector<2048x100xf32>
    %jit3A_81 = arith.constant 0.000000e+00 : f32
    %broadcast_in_dim3A_82 = vector.broadcast %jit3A_81 : f32 to vector<2048x100xf32>
    %select_n3A_83 = arith.select %gt3A_34, %sqrt3A, %broadcast_in_dim3A_82 : vector<2048x100xi1>, vector<2048x100xf32>
    %reduce_sum3A_84 = arith.constant dense<0.000000e+00> : vector<2048xf32>
    %reduce_sum3A_85 = vector.multi_reduction <add>, %select_n3A_83, %reduce_sum3A_84 [1] : vector<2048x100xf32> to vector<2048xf32>
    %broadcast_in_dim3A_86 = vector.shape_cast %reduce_sum3A_85 : vector<2048xf32> to vector<2048x1xf32>
    %add3A_87 = arith.constant 9.99999971E-10 : f32
    %add3A_88 = vector.broadcast %add3A_87 : f32 to vector<2048x1xf32>
    %add3A_89 = arith.addf %broadcast_in_dim3A_86, %add3A_88 : vector<2048x1xf32>
    %div3A_90 = vector.broadcast %add3A_89 : vector<2048x1xf32> to vector<2048x100xf32>
    %div3A_91 = arith.divf %select_n3A_83, %div3A_90 : vector<2048x100xf32>
    %swap3A = arith.constant 0 : index
    %swap3A_92 = arith.constant 0 : index
    %swap3A_93 = vector.load %arg4[%swap3A, %swap3A_92] : memref<2048x100xf32, #tpu.memory_space<vmem>>, vector<2048x100xf32>
    tpu.vector_store %arg4[%swap3A, %swap3A_92], %div3A_91 {strides = array<i32>} : memref<2048x100xf32, #tpu.memory_space<vmem>>, vector<2048x100xf32>,
    %eq3A = arith.constant 0 : i32
    %eq3A_94 = arith.cmpi eq, %arg0, %eq3A : i32
    %convert_element_type3A = arith.extui %eq3A_94 : i1 to i32
    %cond3A = arith.constant 0 : i32
    %cond3A_95 = arith.cmpi ne, %convert_element_type3A, %cond3A : i32
    scf.if %cond3A_95 {
      %swap3A_106 = arith.constant 0.000000e+00 : f32
      %swap3A_107 = arith.constant 0 : index
      %swap3A_108 = memref.load %arg6[%swap3A_107] : memref<1xf32, #tpu.memory_space<smem>>
      memref.store %swap3A_106, %arg6[%swap3A_107] : memref<1xf32, #tpu.memory_space<smem>>
    } else {
    }
    %get3A_96 = arith.constant 0 : index
    %get3A_97 = memref.load %arg6[%get3A_96] : memref<1xf32, #tpu.memory_space<smem>>
    %add3A_98 = arith.addf %get3A_97, %add3A_79 : f32
    %swap3A_99 = arith.constant 0 : index
    %swap3A_100 = memref.load %arg6[%swap3A_99] : memref<1xf32, #tpu.memory_space<smem>>
    memref.store %add3A_98, %arg6[%swap3A_99] : memref<1xf32, #tpu.memory_space<smem>>
    %eq3A_101 = arith.constant 7 : i32
    %eq3A_102 = arith.cmpi eq, %arg0, %eq3A_101 : i32
    %convert_element_type3A_103 = arith.extui %eq3A_102 : i1 to i32
    %cond3A_104 = arith.constant 0 : i32
    %cond3A_105 = arith.cmpi ne, %convert_element_type3A_103, %cond3A_104 : i32
    scf.if %cond3A_105 {
      %get3A_106 = arith.constant 0 : index
      %get3A_107 = memref.load %arg6[%get3A_106] : memref<1xf32, #tpu.memory_space<smem>>
      %mul3A_108 = arith.constant 6.10351563E-5 : f32
      %mul3A_109 = arith.mulf %get3A_107, %mul3A_108 : f32
      %swap3A_110 = arith.constant 0 : index
      %swap3A_111 = arith.constant 0 : index
      %swap3A_112 = memref.load %arg5[%swap3A_110, %swap3A_111] : memref<1x1xf32, #tpu.memory_space<smem>>
      memref.store %mul3A_109, %arg5[%swap3A_110, %swap3A_111] : memref<1x1xf32, #tpu.memory_space<smem>>
    } else {
    }
    return
  }
  func.func @transform_0(%arg0: i32) -> (i32, i32) {
    %c0_i32 = arith.constant 0 : i32
    %c0_i32_0 = arith.constant 0 : i32
    return %arg0, %c0_i32 : i32, i32
  }
  func.func @transform_1(%arg0: i32) -> (i32, i32) {
    %c0_i32 = arith.constant 0 : i32
    %c0_i32_0 = arith.constant 0 : i32
    return %arg0, %c0_i32 : i32, i32
  }
  func.func @transform_2(%arg0: i32) -> (i32, i32) {
    %c0_i32 = arith.constant 0 : i32
    %c0_i32_0 = arith.constant 0 : i32
    return %arg0, %c0_i32 : i32, i32
  }
  func.func @transform_3(%arg0: i32) -> (i32, i32) {
    %c0_i32 = arith.constant 0 : i32
    %c0_i32_0 = arith.constant 0 : i32
    return %arg0, %c0_i32 : i32, i32
  }
  func.func @transform_4(%arg0: i32) -> (i32, i32) {
    %c0_i32 = arith.constant 0 : i32
    %c0_i32_0 = arith.constant 0 : i32
    %c0_i32_1 = arith.constant 0 : i32
    return %c0_i32, %c0_i32_0 : i32, i32
  }
}

module attributes {stable_mosaic.version = 14 : i64} {
  func.func @_apply_body(%arg0: i32, %arg1: memref<16384xi32, #tpu.memory_space<smem>>, %arg2: memref<16384xi32, #tpu.memory_space<smem>>, %arg3: memref<1000000x100xf32, #tpu.memory_space<any>>, %arg4: memref<16384x100xf32, #tpu.memory_space<vmem>>, %arg5: memref<1000000x100xf32, #tpu.memory_space<any>>, %arg6: memref<!tpu.dma_semaphore, #tpu.memory_space<semaphore_mem>>) attributes {dimension_semantics = [#tpu.dimension_semantics<arbitrary>], iteration_bounds = array<i64: 1>, scalar_prefetch = 2 : i64, scratch_operands = 1 : i64, tpu.core_type = #tpu.core_type<tc>, window_params = [{}, {pipeline_mode = #tpu.pipeline_mode<synchronous>, transform_indices = @transform_1, window_bounds = array<i64: 16384, 100>}, {}]} {
    %scan3A = arith.constant 0 : i32
    %scan3A_0 = arith.constant 16384 : i32
    %scan3A_1 = arith.addi %scan3A, %scan3A_0 : i32
    %scan3A_2 = arith.constant 8 : i32
    scf.for %scan3A_9 = %scan3A to %scan3A_1 step %scan3A_2  : i32 {
      %get3A = arith.index_cast %scan3A_9 : i32 to index
      %get3A_10 = memref.load %arg2[%get3A] : memref<16384xi32, #tpu.memory_space<smem>>
      %get3A_11 = arith.index_cast %scan3A_9 : i32 to index
      %get3A_12 = memref.load %arg1[%get3A_11] : memref<16384xi32, #tpu.memory_space<smem>>
      %dma_start3A = arith.constant 0 : i32
      %dma_start3A_13 = tpu.memref_slice %arg5[%get3A_12, %dma_start3A] : memref<1000000x100xf32, #tpu.memory_space<any>> -> memref<1x100xf32, #tpu.memory_space<any>>
      %dma_start3A_14 = arith.constant 0 : i32
      %dma_start3A_15 = tpu.memref_slice %arg4[%get3A_10, %dma_start3A_14] : memref<16384x100xf32, #tpu.memory_space<vmem>> -> memref<1x100xf32, #tpu.memory_space<vmem>>
      tpu.enqueue_dma source(%dma_start3A_15 : memref<1x100xf32, #tpu.memory_space<vmem>>) target(%dma_start3A_13 : memref<1x100xf32, #tpu.memory_space<any>>) target_semaphore(%arg6 : memref<!tpu.dma_semaphore, #tpu.memory_space<semaphore_mem>>)
      %scan3A_16 = arith.constant 1 : i32
      %scan3A_17 = arith.addi %scan3A_9, %scan3A_16 : i32
      %get3A_18 = arith.index_cast %scan3A_17 : i32 to index
      %get3A_19 = memref.load %arg2[%get3A_18] : memref<16384xi32, #tpu.memory_space<smem>>
      %get3A_20 = arith.index_cast %scan3A_17 : i32 to index
      %get3A_21 = memref.load %arg1[%get3A_20] : memref<16384xi32, #tpu.memory_space<smem>>
      %dma_start3A_22 = arith.constant 0 : i32
      %dma_start3A_23 = tpu.memref_slice %arg5[%get3A_21, %dma_start3A_22] : memref<1000000x100xf32, #tpu.memory_space<any>> -> memref<1x100xf32, #tpu.memory_space<any>>
      %dma_start3A_24 = arith.constant 0 : i32
      %dma_start3A_25 = tpu.memref_slice %arg4[%get3A_19, %dma_start3A_24] : memref<16384x100xf32, #tpu.memory_space<vmem>> -> memref<1x100xf32, #tpu.memory_space<vmem>>
      tpu.enqueue_dma source(%dma_start3A_25 : memref<1x100xf32, #tpu.memory_space<vmem>>) target(%dma_start3A_23 : memref<1x100xf32, #tpu.memory_space<any>>) target_semaphore(%arg6 : memref<!tpu.dma_semaphore, #tpu.memory_space<semaphore_mem>>)
      %scan3A_26 = arith.constant 2 : i32
      %scan3A_27 = arith.addi %scan3A_9, %scan3A_26 : i32
      %get3A_28 = arith.index_cast %scan3A_27 : i32 to index
      %get3A_29 = memref.load %arg2[%get3A_28] : memref<16384xi32, #tpu.memory_space<smem>>
      %get3A_30 = arith.index_cast %scan3A_27 : i32 to index
      %get3A_31 = memref.load %arg1[%get3A_30] : memref<16384xi32, #tpu.memory_space<smem>>
      %dma_start3A_32 = arith.constant 0 : i32
      %dma_start3A_33 = tpu.memref_slice %arg5[%get3A_31, %dma_start3A_32] : memref<1000000x100xf32, #tpu.memory_space<any>> -> memref<1x100xf32, #tpu.memory_space<any>>
      %dma_start3A_34 = arith.constant 0 : i32
      %dma_start3A_35 = tpu.memref_slice %arg4[%get3A_29, %dma_start3A_34] : memref<16384x100xf32, #tpu.memory_space<vmem>> -> memref<1x100xf32, #tpu.memory_space<vmem>>
      tpu.enqueue_dma source(%dma_start3A_35 : memref<1x100xf32, #tpu.memory_space<vmem>>) target(%dma_start3A_33 : memref<1x100xf32, #tpu.memory_space<any>>) target_semaphore(%arg6 : memref<!tpu.dma_semaphore, #tpu.memory_space<semaphore_mem>>)
      %scan3A_36 = arith.constant 3 : i32
      %scan3A_37 = arith.addi %scan3A_9, %scan3A_36 : i32
      %get3A_38 = arith.index_cast %scan3A_37 : i32 to index
      %get3A_39 = memref.load %arg2[%get3A_38] : memref<16384xi32, #tpu.memory_space<smem>>
      %get3A_40 = arith.index_cast %scan3A_37 : i32 to index
      %get3A_41 = memref.load %arg1[%get3A_40] : memref<16384xi32, #tpu.memory_space<smem>>
      %dma_start3A_42 = arith.constant 0 : i32
      %dma_start3A_43 = tpu.memref_slice %arg5[%get3A_41, %dma_start3A_42] : memref<1000000x100xf32, #tpu.memory_space<any>> -> memref<1x100xf32, #tpu.memory_space<any>>
      %dma_start3A_44 = arith.constant 0 : i32
      %dma_start3A_45 = tpu.memref_slice %arg4[%get3A_39, %dma_start3A_44] : memref<16384x100xf32, #tpu.memory_space<vmem>> -> memref<1x100xf32, #tpu.memory_space<vmem>>
      tpu.enqueue_dma source(%dma_start3A_45 : memref<1x100xf32, #tpu.memory_space<vmem>>) target(%dma_start3A_43 : memref<1x100xf32, #tpu.memory_space<any>>) target_semaphore(%arg6 : memref<!tpu.dma_semaphore, #tpu.memory_space<semaphore_mem>>)
      %scan3A_46 = arith.constant 4 : i32
      %scan3A_47 = arith.addi %scan3A_9, %scan3A_46 : i32
      %get3A_48 = arith.index_cast %scan3A_47 : i32 to index
      %get3A_49 = memref.load %arg2[%get3A_48] : memref<16384xi32, #tpu.memory_space<smem>>
      %get3A_50 = arith.index_cast %scan3A_47 : i32 to index
      %get3A_51 = memref.load %arg1[%get3A_50] : memref<16384xi32, #tpu.memory_space<smem>>
      %dma_start3A_52 = arith.constant 0 : i32
      %dma_start3A_53 = tpu.memref_slice %arg5[%get3A_51, %dma_start3A_52] : memref<1000000x100xf32, #tpu.memory_space<any>> -> memref<1x100xf32, #tpu.memory_space<any>>
      %dma_start3A_54 = arith.constant 0 : i32
      %dma_start3A_55 = tpu.memref_slice %arg4[%get3A_49, %dma_start3A_54] : memref<16384x100xf32, #tpu.memory_space<vmem>> -> memref<1x100xf32, #tpu.memory_space<vmem>>
      tpu.enqueue_dma source(%dma_start3A_55 : memref<1x100xf32, #tpu.memory_space<vmem>>) target(%dma_start3A_53 : memref<1x100xf32, #tpu.memory_space<any>>) target_semaphore(%arg6 : memref<!tpu.dma_semaphore, #tpu.memory_space<semaphore_mem>>)
      %scan3A_56 = arith.constant 5 : i32
      %scan3A_57 = arith.addi %scan3A_9, %scan3A_56 : i32
      %get3A_58 = arith.index_cast %scan3A_57 : i32 to index
      %get3A_59 = memref.load %arg2[%get3A_58] : memref<16384xi32, #tpu.memory_space<smem>>
      %get3A_60 = arith.index_cast %scan3A_57 : i32 to index
      %get3A_61 = memref.load %arg1[%get3A_60] : memref<16384xi32, #tpu.memory_space<smem>>
      %dma_start3A_62 = arith.constant 0 : i32
      %dma_start3A_63 = tpu.memref_slice %arg5[%get3A_61, %dma_start3A_62] : memref<1000000x100xf32, #tpu.memory_space<any>> -> memref<1x100xf32, #tpu.memory_space<any>>
      %dma_start3A_64 = arith.constant 0 : i32
      %dma_start3A_65 = tpu.memref_slice %arg4[%get3A_59, %dma_start3A_64] : memref<16384x100xf32, #tpu.memory_space<vmem>> -> memref<1x100xf32, #tpu.memory_space<vmem>>
      tpu.enqueue_dma source(%dma_start3A_65 : memref<1x100xf32, #tpu.memory_space<vmem>>) target(%dma_start3A_63 : memref<1x100xf32, #tpu.memory_space<any>>) target_semaphore(%arg6 : memref<!tpu.dma_semaphore, #tpu.memory_space<semaphore_mem>>)
      %scan3A_66 = arith.constant 6 : i32
      %scan3A_67 = arith.addi %scan3A_9, %scan3A_66 : i32
      %get3A_68 = arith.index_cast %scan3A_67 : i32 to index
      %get3A_69 = memref.load %arg2[%get3A_68] : memref<16384xi32, #tpu.memory_space<smem>>
      %get3A_70 = arith.index_cast %scan3A_67 : i32 to index
      %get3A_71 = memref.load %arg1[%get3A_70] : memref<16384xi32, #tpu.memory_space<smem>>
      %dma_start3A_72 = arith.constant 0 : i32
      %dma_start3A_73 = tpu.memref_slice %arg5[%get3A_71, %dma_start3A_72] : memref<1000000x100xf32, #tpu.memory_space<any>> -> memref<1x100xf32, #tpu.memory_space<any>>
      %dma_start3A_74 = arith.constant 0 : i32
      %dma_start3A_75 = tpu.memref_slice %arg4[%get3A_69, %dma_start3A_74] : memref<16384x100xf32, #tpu.memory_space<vmem>> -> memref<1x100xf32, #tpu.memory_space<vmem>>
      tpu.enqueue_dma source(%dma_start3A_75 : memref<1x100xf32, #tpu.memory_space<vmem>>) target(%dma_start3A_73 : memref<1x100xf32, #tpu.memory_space<any>>) target_semaphore(%arg6 : memref<!tpu.dma_semaphore, #tpu.memory_space<semaphore_mem>>)
      %scan3A_76 = arith.constant 7 : i32
      %scan3A_77 = arith.addi %scan3A_9, %scan3A_76 : i32
      %get3A_78 = arith.index_cast %scan3A_77 : i32 to index
      %get3A_79 = memref.load %arg2[%get3A_78] : memref<16384xi32, #tpu.memory_space<smem>>
      %get3A_80 = arith.index_cast %scan3A_77 : i32 to index
      %get3A_81 = memref.load %arg1[%get3A_80] : memref<16384xi32, #tpu.memory_space<smem>>
      %dma_start3A_82 = arith.constant 0 : i32
      %dma_start3A_83 = tpu.memref_slice %arg5[%get3A_81, %dma_start3A_82] : memref<1000000x100xf32, #tpu.memory_space<any>> -> memref<1x100xf32, #tpu.memory_space<any>>
      %dma_start3A_84 = arith.constant 0 : i32
      %dma_start3A_85 = tpu.memref_slice %arg4[%get3A_79, %dma_start3A_84] : memref<16384x100xf32, #tpu.memory_space<vmem>> -> memref<1x100xf32, #tpu.memory_space<vmem>>
      tpu.enqueue_dma source(%dma_start3A_85 : memref<1x100xf32, #tpu.memory_space<vmem>>) target(%dma_start3A_83 : memref<1x100xf32, #tpu.memory_space<any>>) target_semaphore(%arg6 : memref<!tpu.dma_semaphore, #tpu.memory_space<semaphore_mem>>)
    }
    %scan3A_3 = arith.constant 16384 : i32
    %dma_wait3A = arith.constant 0 : i32
    %dma_wait3A_4 = arith.constant 0 : i32
    %dma_wait3A_5 = tpu.memref_slice %arg5[%dma_wait3A, %dma_wait3A_4] : memref<1000000x100xf32, #tpu.memory_space<any>> -> memref<16384x100xf32, #tpu.memory_space<any>>
    %dma_wait3A_6 = arith.constant 0 : i32
    %dma_wait3A_7 = arith.constant 0 : i32
    %dma_wait3A_8 = tpu.memref_slice %arg4[%dma_wait3A_6, %dma_wait3A_7] : memref<16384x100xf32, #tpu.memory_space<vmem>> -> memref<16384x100xf32, #tpu.memory_space<vmem>>
    tpu.wait_dma2 semaphore(%arg6 : memref<!tpu.dma_semaphore, #tpu.memory_space<semaphore_mem>>) src(%dma_wait3A_8 : memref<16384x100xf32, #tpu.memory_space<vmem>>) dst(%dma_wait3A_5 : memref<16384x100xf32, #tpu.memory_space<any>>)
    return
  }
  func.func @transform_1(%arg0: i32, %arg1: memref<16384xi32, #tpu.memory_space<smem>>, %arg2: memref<16384xi32, #tpu.memory_space<smem>>) -> (i32, i32) {
    %c0_i32 = arith.constant 0 : i32
    %c0_i32_0 = arith.constant 0 : i32
    %c0_i32_1 = arith.constant 0 : i32
    return %c0_i32, %c0_i32_0 : i32, i32
  }
}

</mosaic_0001>

<sc_bundles>
// kernel: gather_offload_async_start.1
scs
__scs_entry_jumppad:
0x0: {  	(pc) =	sbr.rel $0x88, $3  }
0x1: {  	(tag) =	ssettag $0x0;
	lr =	simm.s32 $0x1  }
0x2: {  	[smem:$0x3F9D] =	sst lr;
	_ =	strace $0xD0000000  }
0x3: {  	_ = 	snop  }
0x4: {  	_ = 	snop  }
0x5: {  	_ = 	snop  }
0x6: {  	_ = 	snop  }
0x7: {  	_ = 	snop  }
__scs_overlays_trampoline_lowered:
0x8: {  	[smem:$0x3FAC] =	sst s0  }
0x9: {  	[smem:$0x3FAD] =	sst s1  }
0xa: {  	[smem:$0x3FAE] =	sst s2  }
0xb: {  	[smem:$0x3FAF] =	sst s3  }
0xc: {  	[smem:$0x3FB0] =	sst s4  }
0xd: {  	[smem:$0x3FB1] =	sst s5  }
0xe: {  	[smem:$0x3FB2] =	sst s6  }
0xf: {  	[smem:$0x3FB3] =	sst s7  }
0x10: {  	[smem:$0x3FB4] =	sst s8  }
0x11: {  	[smem:$0x3FB5] =	sst s9;
	s0 =	simm.s32 @!p0 $0x0  }
0x12: {  	s1 =	sld [smem:$0x3F9B];
	s0 =	simm.s32 @p0 $0x1  }
0x13: {  	[smem:$0x3FB6] =	sst s0;
	s0 =	simm.s32 @!p1 $0x0  }
0x14: {  	s2 =	sld [smem:$0x3F9A];
	s0 =	simm.s32 @p1 $0x1  }
0x15: {  	[smem:$0x3FB7] =	sst s0;
	s0 =	simm.s32 @!p2 $0x0  }
0x16: {  	s3 =	sld [smem:$0x3FDB];
	s0 =	simm.s32 @p2 $0x1  }
0x17: {  	s4 =	simm.s32 $0x1BF5;
	[smem:$0x3FB9] =	sst s0  }
0x18: {  	s0 =	sld [smem:$0x3F9C];
	_ =	swait.ge [sflag:s4], $0x0  }
0x19: {  	s7 =	sld [smem:$0x3F9D]  }
0x1a: {  	s8 =	sadd.s32 $0xFFFFE003, lr  }
0x1b: {  	s9 =	sadd.s32 $0xFFFFFEF7, lr;
	s5 =	simm.s32 $0xFFFFFFFF;
	p2 =	slt.u32 s8, $0xFFFFF086  }
0x1c: {  	p1 =	slt.u32 s9, $0xF7A;
	s5 =	simm.s32 @!p2 $0x0  }
0x1d: {  	s5 =	simm.s32 @p1 $0x1;
	p0 =	seq.s32 s7, s2  }
0x1e: {  	s7 =	smul.u32 @!p0 $0xF7A, s2;
	p2 =	seq.s32 @!p0 s5, $0x0  }
0x1f: {  	s9 =	smul.u32 $0xF7A, s1;
	s8 =	simm.s32 @!p0 $0x1BF5;
	p2 =	por !p2, p0  }
0x20: {  	[sflag:s8] =	ssyncset.s32 @!p0 $0xFFFFF086;
	s6 =	sadd.s32 @!p0 s3, s7;
	s7 =	simm.s32 @!p0 $0x108  }
0x21: {  	s3 =	sadd.s32 s3, s9;
	s6 =	sadd.s32 @!p0 $0x88, s6;
	s7 =	simm.s32 @p2 $0x1082  }
0x22: {  	[simem:s7], [sflag:s8] =	dma.local @!p0 [hbm:s6], $0xF7A  }
0x23: {  	s9 =	sor.u32 $0xD0000000, s2;
	s6 =	simm.s32 $0x108;
	_ =	swait.ge @!p0 [sflag:s8], $0x0  }
0x24: {  	s3 =	sadd.s32 $0x88, s3;
	s6 =	simm.s32 @!p1 $0x1082;
	[sflag:s4] =	ssyncset.s32 $0xFFFFF086  }
0x25: {  	[simem:s6], [sflag:s4] =	dma.local [hbm:s3], $0xF7A  }
0x26: {  	[smem:$0x3F9D] =	sst s1;
	(tag) =	ssettag s2;
	_ =	strace s9  }
0x27: {  	s1 =	sld [smem:$0x3FAD]  }
0x28: {  	s2 =	sld [smem:$0x3FAE]  }
0x29: {  	s4 =	sld [smem:$0x3FB0]  }
0x2a: {  	p0 =	seq.s32 s5, $0x0;
	s5 =	sld [smem:$0x3FB1]  }
0x2b: {  	s6 =	sld [smem:$0x3FB2]  }
0x2c: {  	s7 =	sld [smem:$0x3FB3]  }
0x2d: {  	s3 =	simm.s32 $0x108;
	s8 =	sld [smem:$0x3FB4]  }
0x2e: {  	s3 =	simm.s32 @!p0 $0x1082;
	s9 =	sld [smem:$0x3FB5]  }
0x2f: {  	lr =	sadd.s32 s0, s3;
	s0 =	sld [smem:$0x3FAC]  }
0x30: {  	s3 =	sld [smem:$0x3FAF]  }
0x31: {  	[smem:$0x3FB8] =	sst s10  }
0x32: {  	s10 =	sld [smem:$0x3FB6];
	_ =	sdelay $0x3  }
0x33: {  	p0 =	seq.s32 s10, $0x1;
	s10 =	sld [smem:$0x3FB8];
	_ =	sdelay $0x3  }
0x34: {  	[smem:$0x3FB8] =	sst s10  }
0x35: {  	s10 =	sld [smem:$0x3FB7];
	_ =	sdelay $0x3  }
0x36: {  	p1 =	seq.s32 s10, $0x1;
	s10 =	sld [smem:$0x3FB8];
	_ =	sdelay $0x3  }
0x37: {  	[smem:$0x3FB8] =	sst s10  }
0x38: {  	s10 =	sld [smem:$0x3FB9]  }
0x39: {  	_ = 	snop;
	(pc) =	sbr.ind lr, $3  }
0x3a: {  	_ = 	snop  }
0x3b: {  	_ = 	snop  }
0x3c: {  	p2 =	seq.s32 s10, $0x1;
	s10 =	sld [smem:$0x3FB8]  }
0x3d: {  	_ =	shalt  }
0x3e: {  	_ =	shalt  }
0x3f: {  	_ =	shalt  }
0x40: {  	_ =	shalt  }
0x41: {  	_ =	shalt  }
0x42: {  	_ =	shalt  }
0x43: {  	_ =	shalt  }
0x44: {  	_ =	shalt  }
0x45: {  	_ =	shalt  }
0x46: {  	_ =	shalt  }
0x47: {  	_ =	shalt  }
0x48: {  	_ =	shalt  }
0x49: {  	_ =	shalt  }
0x4a: {  	_ =	shalt  }
0x4b: {  	_ =	shalt  }
0x4c: {  	_ =	shalt  }
0x4d: {  	_ =	shalt  }
0x4e: {  	_ =	shalt  }
0x4f: {  	_ =	shalt  }
0x50: {  	_ =	shalt  }
0x51: {  	_ =	shalt  }
0x52: {  	_ =	shalt  }
0x53: {  	_ =	shalt  }
0x54: {  	_ =	shalt  }
0x55: {  	_ =	shalt  }
0x56: {  	_ =	shalt  }
0x57: {  	_ =	shalt  }
0x58: {  	_ =	shalt  }
0x59: {  	_ =	shalt  }
0x5a: {  	_ =	shalt  }
0x5b: {  	_ =	shalt  }
0x5c: {  	_ =	shalt  }
0x5d: {  	_ =	shalt  }
0x5e: {  	_ =	shalt  }
0x5f: {  	_ =	shalt  }
0x60: {  	_ =	shalt  }
0x61: {  	_ =	shalt  }
0x62: {  	_ =	shalt  }
0x63: {  	_ =	shalt  }
0x64: {  	_ =	shalt  }
0x65: {  	_ =	shalt  }
0x66: {  	_ =	shalt  }
0x67: {  	_ =	shalt  }
0x68: {  	_ =	shalt  }
0x69: {  	_ =	shalt  }
0x6a: {  	_ =	shalt  }
0x6b: {  	_ =	shalt  }
0x6c: {  	_ =	shalt  }
0x6d: {  	_ =	shalt  }
0x6e: {  	_ =	shalt  }
0x6f: {  	_ =	shalt  }
0x70: {  	_ =	shalt  }
0x71: {  	_ =	shalt  }
0x72: {  	_ =	shalt  }
0x73: {  	_ =	shalt  }
0x74: {  	_ =	shalt  }
0x75: {  	_ =	shalt  }
0x76: {  	_ =	shalt  }
0x77: {  	_ =	shalt  }
0x78: {  	_ =	shalt  }
0x79: {  	_ =	shalt  }
0x7a: {  	_ =	shalt  }
0x7b: {  	_ =	shalt  }
0x7c: {  	_ =	shalt  }
0x7d: {  	_ =	shalt  }
0x7e: {  	_ =	shalt  }
0x7f: {  	_ =	shalt  }
0x80: {  	_ =	shalt  }
0x81: {  	_ =	shalt  }
0x82: {  	_ =	shalt  }
0x83: {  	_ =	shalt  }
0x84: {  	_ =	shalt  }
0x85: {  	_ =	shalt  }
0x86: {  	_ =	shalt  }
0x87: {  	_ =	shalt  }
.Lfunc_end0:
.L_simem_size_0:
called_computation.1_lowered:
.L_overlay_start_0:
0x88: {  	s2 =	sld [smem:$0x3FD9]  }
0x89: {  	s3 =	sld [smem:$0x3FFE];
	_ =	sdelay $0x1  }
0x8a: {  	s1 =	srdreg.scid  }
0x8b: {  	s0 =	sand.u32 $0x1, s1  }
0x8c: {  	s14 =	sshll.u32 s0, $0xA;
	s2 =	sadd.s32 s3, s2  }
0x8d: {  	s2 =	sadd.s32 s2, s14  }
0x8e: {  	[smem:$0x3FC4] =	sst s2  }
0x8f: {  	_ = 	snop  }
0x90: {  	s2 =	sld [smem:$0x3FD0];
	_ =	sdelay $0x2  }
0x91: {  	s4 =	simm.s32 $0xB;
	s5 =	simm.s32 $0x10;
	s15 =	sld [smem:$0x3FC7]  }
0x92: {  	[smem:s5], [sflag:s4] =	dma.local [hbm:s2], $0x1  }
0x93: {  	_ =	swait.eq [sflag:s4], $0x1  }
0x94: {  	[sflag:s4] =	ssyncset.done $0x0  }
0x95: {  	[sflag:s4] =	ssyncadd.s32 $0xFFFFFFFF  }
0x96: {  	s16 =	sld [smem:$0x11];
	(tm) =	ssettm $0x1  }
0x97: {  	s17 =	sld [smem:$0x3FFB];
	_ =	sdelay $0x3  }
0x98: {  	_ =	strace s17  }
0x99: {  	s4 =	sld [smem:$0x3FFC];
	_ =	sdelay $0x3  }
0x9a: {  	_ =	strace s4  }
0x9b: {  	s4 =	sld [smem:$0x3FFD];
	_ =	sdelay $0x3  }
0x9c: {  	_ =	strace s4  }
0x9d: {  	_ =	strace $0x8FFFFFFF  }
0x9e: {  	s18 =	sld [smem:$0x3FDB];
	_ =	sdelay $0x1  }
0x9f: {  	s19 =	simm.s32 $_scs_section_size  }
0xa0: {  	s6 =	simm.s32 $_size__tile_overlayer_lowered;
	s7 =	simm.s32 $_tile_overlayer_lowered  }
0xa1: {  	s22 =	simm.s32 $0x1BFF;
	s21 =	sshll.u32 s7, $0x1;
	s4 =	sadd.s32 s19, s18  }
0xa2: {  	s8 =	simm.s32 $0x0;
	s20 =	sshll.u32 s6, $0x1;
	s6 =	sadd.s32 s21, s4  }
0xa3: {  	[timem:s8], [sflag:s22] =	dma.local [hbm:s6], s20  }
0xa4: {  	_ =	swait.ge [sflag:s22], s20  }
0xa5: {  	s5 =	ssub.s32 $0x0, s20;
	[sflag:s22] =	ssyncset.done $0x0  }
0xa6: {  	[sflag:s22] =	ssyncadd.s32 s5;
	_ =	sdelay $0x1  }
0xa7: {  	s23 =	simm.s32 $0x1B8B  }
0xa8: {  	_ =	swait.ge [sflag:s23], $0x1  }
0xa9: {  	[sflag:s23] =	ssyncset.done $0x0  }
0xaa: {  	s25 =	simm.s32 $0x1B8E;
	s24 =	sld [smem:$0x3FFE];
	[sflag:s23] =	ssyncadd.s32 $0xFFFFFFFF  }
0xab: {  	s26 =	simm.s32 $execute0_lowered;
	[smem:$0x3FD2] =	sst s25  }
0xac: {  	s6 =	sshll.u32 s26, $0x1;
	_ =	strace $0x80000046;
	[dreg:$0x1] =	wrdreg $0xFFFFFFFF  }
0xad: {  	s28 =	simm.s32 $_size_execute0_lowered;
	s4 =	sadd.s32 s4, s6;
	[dreg:$0x0] =	wrdreg $0x0  }
0xae: {  	s6 =	sshll.u32 s28, $0x1;
	[dreg:$0x2] =	wrdreg s4  }
0xaf: {  	[dreg:$0x3] =	wrdreg s6  }
0xb0: {  	[dreg:$0x4] =	wrdreg $0xC0  }
0xb1: {  	_ =	task [dreg:s8], $0x5FFFF  }
0xb2: {  	[dreg:$0x1] =	wrdreg $0xFFFFFFFF  }
0xb3: {  	[dreg:$0x0] =	wrdreg $0x60  }
0xb4: {  	[dreg:$0x2] =	wrdreg s15  }
0xb5: {  	[dreg:$0x3] =	wrdreg s16  }
0xb6: {  	[dreg:$0x4] =	wrdreg s24  }
0xb7: {  	[dreg:$0x5] =	wrdreg $0x9  }
0xb8: {  	_ =	task.clear_ibuf [dreg:s8], $0x6FFFF;
	_ =	strace $0x90000046  }
0xb9: {  	s29 =	simm.s32 $0x9;
	_ =	strace $0x80000048  }
0xba: {  	_ =	swait.ge [sflag:s29], $0x1  }
0xbb: {  	[sflag:s29] =	ssyncadd.s32 $0xFFFFFFFF  }
0xbc: {  	_ =	strace $0x90000048  }
0xbd: {  	_ =	sfence  }
0xbe: {  	s30 =	sld [smem:$0x0];
	_ =	sdelay $0x2  }
0xbf: {  	s31 =	sshll.u32 s1, $0xD;
	s1 =	sshrl.u32 s1, $0x2  }
0xc0: {  	s3 =	sand.u32 $0x4000, s31;
	s1 =	sadd.s32 s1, s30  }
0xc1: {  	s0 =	sor.u32 s3, s0;
	s1 =	sshll.u32 s1, $0x11  }
0xc2: {  	s0 =	sor.u32 s1, s0  }
0xc3: {  	s0 =	sadd.s32 $0x8F2B, s0  }
0xc4: {  	[sflag:s0] =	ssyncadd.remote.s32 $0x1  }
0xc5: {  	_ =	sfence.sel $0xFFFF  }
0xc6: {  	[dreg:$0x0] =	wrdreg $0xFFFFFFFF;
	(pc) =	sbr.abs _section_cstart, $3  }
0xc7: {  	[dreg:$0x1] =	wrdreg $0xFFFFFFFF  }
0xc8: {  	_ =	task.clear_ibuf [dreg:s8], $0x2FFFF;
	_ =	strace $0x9FFFFFFF  }
0xc9: {  	(tm) =	ssettm $0x7FFFFFFF  }
tec
execute0_lowered:
.L_overlay_start_1:
0x0: {  	(tag) =	ssettag $0x1  }
0x1: {  	s2 =	rddreg [dreg:$0x0]  }
0x2: {  	s1 =	srdreg.scid;
	s3 =	rddreg [dreg:$0x1]  }
0x3: {  	s0 =	stileid.u32;
	s5 =	rddreg [dreg:$0x2]  }
0x4: {  	s9 =	simm.s32 $0x1;
	s10 =	simm.s32 $0x3;
	s1 =	sshll.u32 s1, $0x8  }
0x5: {  	s13 =	simm.s32 $0x0;
	s4 =	sshll.u32 s0, $0x9;
	s6 =	sand.u32 $0x100, s1  }
0x6: {  	s12 =	simm.s32 $0x0;
	s5 =	sadd.s32 $0x1400, s5;
	s4 =	sor.u32 s4, s6  }
0x7: {  	s1 =	rddreg [dreg:$0x3];
	_ =	strace $0x80000047;
	s8 =	ssub.s32 $0x4000, s4  }
.Ltmp0:
0x8: {  	s6 =	simm.s32 $0x1;
	s7 =	sand.u32 $0x1F00, s8;
	(pc) =	sbr.rel .LBB2_1-.Ltmp0, $4  }
0x9: {  	[sflag:s6] =	ssyncpa.u1 $0x0;
	s11 =	smov.u32 s4;
	p0 =	sne.s32 s7, $0x0  }
0xa: {  	s8 =	sshrl.u32 s8, $0xD;
	s7 =	simm.s32 $0x2;
	s9 =	simm.s32 @!p0 $0x0  }
0xb: {  	[sflag:s7] =	ssyncpa.u1 $0x0;
	p0 =	por $0x0, $0x0;
	s8 =	sadd.s32 s9, s8  }
0xc: {  	vm0 =	vmmov $0xffff;
	[sflag:s10] =	ssyncpa.u1 $0x0;
	s10 =	simm.s32 $0x0;
	s9 =	sadd.s32 $0x1, s8  }
.LBB2_4:
0xd: {  	v2 =	vnsel vm1, $0x0, v2  }
0xe: {  	vm1 =	vgt.s32 v0, $0x0;
	v2 =	vmin.u32 v2, $0x3FFF  }
0xf: {  	v0 =	vnsel vm1, $0x0, v0  }
0x10: {  	v0 =	vmin.u32 v0, $0x3FFF  }
0x11: {  	[tilespmem:s15], [sflag:$0x1] =	stream.indirect_vreg.gather [hbm4b:s2+s10], $0x1, v1, vm0, $0x4038;
	[tilespmem:$0x400] =	vst v63  }
0x12: {  	(ifvalue) =	ssetifvalue $0x7FFFFFFF  }
0x13: {  	[tilespmem:s16], [sflag:$0x1] =	stream.indirect_vreg.gather [hbm4b:s2+s10], $0x1, v2, vm0, $0x4038;
	[tilespmem:$0x400] =	vst v63  }
0x14: {  	s29 =	sadd.s32 $0x10, s16;
	(ifvalue) =	ssetifvalue $0x7FFFFFFF  }
0x15: {  	[tilespmem:s29], [sflag:$0x1] =	stream.indirect_vreg.gather [hbm4b:s2+s10], $0x1, v0, vm0, $0x4038;
	[tilespmem:$0x400] =	vst v63  }
0x16: {  	_ =	swait.ge [sflag:s6], $0x100  }
0x17: {  	s30 =	sshrl.u32 s13, $0x3;
	[sflag:s6] =	ssyncset.done $0x0  }
0x18: {  	s31 =	sand.u32 $0x7, s13;
	s15 =	sadd.s32 s5, s30;
	[sflag:s6] =	ssyncadd.s32 $0xFFFFFF00  }
0x19: {  	[hbm4b:s15+s31] =	stream.linear.scatter [tilespmem:s14], [sflag:$0x3], $0x100, $0x38;
	[tilespmem:$0x400] =	vst v63  }
.LBB2_5:
0x1a: {  	s15 =	sadd.s32 $0x2000, s11  }
0x1b: {  	p2 =	sgt.s32 s15, $0x3FFF  }
0x1c: {  	s15 =	smov.u32 @p2 s4;
	p2 =	sne.s32 s12, s9  }
.Ltmp1:
0x1d: {  	p1 =	slt.u32 s12, $0x2;
	(pc) =	sbr.rel @!p2 .LBB2_6-.Ltmp1, $4  }
0x1e: {  	s14 =	simm.s32 @!p1 $0x3  }
0x1f: {  	s16 =	sadd.s32 $0x1, s12;
	_ =	swait.ge @!p1 [sflag:s14], $0x100  }
0x20: {  	s13 =	smov.u32 s11;
	p0 =	por !p0, !p0;
	[sflag:s14] =	ssyncset.done @!p1 $0x0  }
0x21: {  	s12 =	smov.u32 s16;
	s11 =	smov.u32 s15;
	[sflag:s14] =	ssyncadd.s32 @!p1 $0xFFFFFF00  }
.LBB2_1:
0x22: {  	p1 =	sge.u32 s12, s8  }
0x23: {  	s14 =	sxor.u32 @!p1 $0xFFFFFFFF, s12  }
0x24: {  	s31 =	sadd.s32 $0xFFFFFFFF, s12;
	s15 =	sshrl.u32 @!p1 s11, $0x3;
	s14 =	sshll.u32 @!p1 s14, $0x8  }
0x25: {  	s16 =	sand.u32 @!p1 $0x7, s11;
	s15 =	sadd.s32 @!p1 s3, s15;
	s14 =	sand.u32 @!p1 $0x100, s14  }
0x26: {  	[tilespmem:s14], [sflag:$0x2] =	stream.linear.gather @!p1 [hbm4b:s15+s16], $0x100, $0x38;
	[tilespmem:$0x400] =	vst v63  }
0x27: {  	p1 =	sge.u32 s31, s8  }
.Ltmp2:
0x28: {  	_ = 	snop;
	(pc) =	sbr.rel @p1 .LBB2_5-.Ltmp2, $1  }
0x29: {  	_ =	sdelay $0x3  }
0x2a: {  	s14 =	simm.s32 $0x1  }
0x2b: {  	_ =	swait.ge [sflag:s7], $0x100;
	s14 =	simm.s32 @!p0 $0x0  }
0x2c: {  	[sflag:s7] =	ssyncset.done $0x0;
	s14 =	sshll.u32 s14, $0x8  }
0x2d: {  	[sflag:s7] =	ssyncadd.s32 $0xFFFFFF00;
	(ifvalue) =	ssetifvalue $0x7FFFFFFF;
	v0 =	vld.msk [tilespmem:s14+$0x0 ss:$0x1], $0xffff;
	_ =	sdelay $0x4  }
0x2e: {  	s15 =	sadd.s32 $0x10, s14;
	vm1 =	vgt.s32 v0, $0x0  }
0x2f: {  	v2 =	vld.msk [tilespmem:s15+$0x0 ss:$0x1], $0xffff;
	v1 =	vnsel vm1, $0x0, v0  }
0x30: {  	v1 =	vmin.u32 v1, $0x3FFF;
	_ =	sdelay $0x1  }
0x31: {  	s16 =	sshll.u32 s12, $0x8;
	s18 =	simm.s32 $0x20  }
0x32: {  	s16 =	sand.u32 $0x100, s16;
	s17 =	sadd.s32 $0x10, s15;
	s15 =	sor.u32 $0x200, s14  }
0x33: {  	s14 =	sor.u32 $0x200, s16;
	s16 =	sadd.s32 $0x10, s15;
	v0 =	vld.msk [tilespmem:s17+$0x0 ss:$0x1], $0xffff;
	vm1 =	vgt.s32 v2, $0x0;
	(ifvalue) =	ssetifvalue $0x7FFFFFFF  }
.LBB2_3:
0x34: {  	[tilespmem:s15], [sflag:$0x1] =	stream.indirect_vreg.gather [hbm4b:s2+s10], $0x1, v1, vm0, $0x4038;
	[tilespmem:$0x400] =	vst v63  }
0x35: {  	s18 =	sadd.s32 $0x10, s18  }
0x36: {  	v2 =	vnsel vm1, $0x0, v2;
	p1 =	slt.u32 s18, $0xF0  }
.Ltmp3:
0x37: {  	s15 =	smov.u32 s16;
	v1 =	vmin.u32 v2, $0x3FFF;
	(pc) =	sbr.rel @p1 .LBB2_3-.Ltmp3, $3  }
0x38: {  	_ =	sdelay $0x1  }
0x39: {  	s17 =	sadd.s32 $0x10, s17  }
0x3a: {  	vm1 =	vgt.s32 v0, $0x0;
	s16 =	sadd.s32 $0x10, s16;
	v2 =	vmov v0;
	(ifvalue) =	ssetifvalue $0x7FFFFFFF;
	v0 =	vld.msk [tilespmem:s17+$0x0 ss:$0x1], $0xffff  }
.Ltmp4:
0x3b: {  	_ = 	snop;
	(pc) =	sbr.rel .LBB2_4-.Ltmp4, $1  }
0x3c: {  	_ =	sdelay $0x3  }
.LBB2_6:
0x3d: {  	_ =	sfence.sel $0x180000  }
0x3e: {  	s2 =	simm.s32 $0x2;
	[bflag:$0x0] =	sbarrier.arrive $0xFFFF  }
0x3f: {  	s30 =	simm.s32 $0x3;
	[sflag:s2] =	ssyncpa.u1 $0x1  }
0x40: {  	s31 =	simm.s32 $0x1;
	[sflag:s30] =	ssyncpa.u1 $0x1  }
0x41: {  	[sflag:s31] =	ssyncpa.u1 $0x1  }
0x42: {  	p0 =	sne.s32 s0, $0x0;
	_ =	strace $0x90000047  }
0x43: {  	s0 =	sadd.s32 @!p0 $0x100000, s1;
	[bflag:$0x2] =	sbarrier.arrive $0xFFFF  }
0x44: {  	[sflag:s0] =	ssyncadd.tile.s32 @!p0 $0x1;
	_ =	shalt  }
.Lfunc_end2:
_tile_overlayer_lowered:
.L_overlay_start_2:
0x45: {  	(tag) =	ssettag $0x2  }
0x46: {  	s0 =	rddreg [dreg:$0x0];
	s2 =	stileid.u32  }
0x47: {  	s1 =	rddreg [dreg:$0x1];
	p0 =	sne.s32 s2, $0x0  }
0x48: {  	s3 =	rddreg [dreg:$0x2];
	[bflag:$0x3] =	sbarrier.arrive $0xFFFF;
	s2 =	simm.s32 @!p0 $0x1C01  }
0x49: {  	[timem:s3], [sflag:s2] =	dma.local @!p0 [hbm:s0], s1  }
0x4a: {  	s0 =	simm.s32 @!p0 $0x1  }
0x4b: {  	_ =	swait.ge @!p0 [sflag:s0], s1  }
0x4c: {  	s1 =	ssub.s32 @!p0 $0x0, s1;
	[sflag:s0] =	ssyncset.done @!p0 $0x0  }
0x4d: {  	[sflag:s0] =	ssyncadd.s32 @!p0 s1  }
0x4e: {  	[bflag:$0x3] =	sbarrier.arrive $0xFFFF  }
0x4f: {  	_ =	shalt  }

// kernel: gather_offload_async_start.2
scs
__scs_entry_jumppad:
0x0: {  	(pc) =	sbr.rel $0x88, $3  }
0x1: {  	(tag) =	ssettag $0x0;
	lr =	simm.s32 $0x1  }
0x2: {  	[smem:$0x3F9D] =	sst lr;
	_ =	strace $0xD0000000  }
0x3: {  	_ = 	snop  }
0x4: {  	_ = 	snop  }
0x5: {  	_ = 	snop  }
0x6: {  	_ = 	snop  }
0x7: {  	_ = 	snop  }
__scs_overlays_trampoline_lowered:
0x8: {  	[smem:$0x3FAC] =	sst s0  }
0x9: {  	[smem:$0x3FAD] =	sst s1  }
0xa: {  	[smem:$0x3FAE] =	sst s2  }
0xb: {  	[smem:$0x3FAF] =	sst s3  }
0xc: {  	[smem:$0x3FB0] =	sst s4  }
0xd: {  	[smem:$0x3FB1] =	sst s5  }
0xe: {  	[smem:$0x3FB2] =	sst s6  }
0xf: {  	[smem:$0x3FB3] =	sst s7  }
0x10: {  	[smem:$0x3FB4] =	sst s8  }
0x11: {  	[smem:$0x3FB5] =	sst s9;
	s0 =	simm.s32 @!p0 $0x0  }
0x12: {  	s1 =	sld [smem:$0x3F9B];
	s0 =	simm.s32 @p0 $0x1  }
0x13: {  	[smem:$0x3FB6] =	sst s0;
	s0 =	simm.s32 @!p1 $0x0  }
0x14: {  	s2 =	sld [smem:$0x3F9A];
	s0 =	simm.s32 @p1 $0x1  }
0x15: {  	[smem:$0x3FB7] =	sst s0;
	s0 =	simm.s32 @!p2 $0x0  }
0x16: {  	s3 =	sld [smem:$0x3FDB];
	s0 =	simm.s32 @p2 $0x1  }
0x17: {  	s4 =	simm.s32 $0x1BF5;
	[smem:$0x3FB9] =	sst s0  }
0x18: {  	s0 =	sld [smem:$0x3F9C];
	_ =	swait.ge [sflag:s4], $0x0  }
0x19: {  	s7 =	sld [smem:$0x3F9D]  }
0x1a: {  	s8 =	sadd.s32 $0xFFFFE003, lr  }
0x1b: {  	s9 =	sadd.s32 $0xFFFFFEF7, lr;
	s5 =	simm.s32 $0xFFFFFFFF;
	p2 =	slt.u32 s8, $0xFFFFF086  }
0x1c: {  	p1 =	slt.u32 s9, $0xF7A;
	s5 =	simm.s32 @!p2 $0x0  }
0x1d: {  	s5 =	simm.s32 @p1 $0x1;
	p0 =	seq.s32 s7, s2  }
0x1e: {  	s7 =	smul.u32 @!p0 $0xF7A, s2;
	p2 =	seq.s32 @!p0 s5, $0x0  }
0x1f: {  	s9 =	smul.u32 $0xF7A, s1;
	s8 =	simm.s32 @!p0 $0x1BF5;
	p2 =	por !p2, p0  }
0x20: {  	[sflag:s8] =	ssyncset.s32 @!p0 $0xFFFFF086;
	s6 =	sadd.s32 @!p0 s3, s7;
	s7 =	simm.s32 @!p0 $0x108  }
0x21: {  	s3 =	sadd.s32 s3, s9;
	s6 =	sadd.s32 @!p0 $0x88, s6;
	s7 =	simm.s32 @p2 $0x1082  }
0x22: {  	[simem:s7], [sflag:s8] =	dma.local @!p0 [hbm:s6], $0xF7A  }
0x23: {  	s9 =	sor.u32 $0xD0000000, s2;
	s6 =	simm.s32 $0x108;
	_ =	swait.ge @!p0 [sflag:s8], $0x0  }
0x24: {  	s3 =	sadd.s32 $0x88, s3;
	s6 =	simm.s32 @!p1 $0x1082;
	[sflag:s4] =	ssyncset.s32 $0xFFFFF086  }
0x25: {  	[simem:s6], [sflag:s4] =	dma.local [hbm:s3], $0xF7A  }
0x26: {  	[smem:$0x3F9D] =	sst s1;
	(tag) =	ssettag s2;
	_ =	strace s9  }
0x27: {  	s1 =	sld [smem:$0x3FAD]  }
0x28: {  	s2 =	sld [smem:$0x3FAE]  }
0x29: {  	s4 =	sld [smem:$0x3FB0]  }
0x2a: {  	p0 =	seq.s32 s5, $0x0;
	s5 =	sld [smem:$0x3FB1]  }
0x2b: {  	s6 =	sld [smem:$0x3FB2]  }
0x2c: {  	s7 =	sld [smem:$0x3FB3]  }
0x2d: {  	s3 =	simm.s32 $0x108;
	s8 =	sld [smem:$0x3FB4]  }
0x2e: {  	s3 =	simm.s32 @!p0 $0x1082;
	s9 =	sld [smem:$0x3FB5]  }
0x2f: {  	lr =	sadd.s32 s0, s3;
	s0 =	sld [smem:$0x3FAC]  }
0x30: {  	s3 =	sld [smem:$0x3FAF]  }
0x31: {  	[smem:$0x3FB8] =	sst s10  }
0x32: {  	s10 =	sld [smem:$0x3FB6];
	_ =	sdelay $0x3  }
0x33: {  	p0 =	seq.s32 s10, $0x1;
	s10 =	sld [smem:$0x3FB8];
	_ =	sdelay $0x3  }
0x34: {  	[smem:$0x3FB8] =	sst s10  }
0x35: {  	s10 =	sld [smem:$0x3FB7];
	_ =	sdelay $0x3  }
0x36: {  	p1 =	seq.s32 s10, $0x1;
	s10 =	sld [smem:$0x3FB8];
	_ =	sdelay $0x3  }
0x37: {  	[smem:$0x3FB8] =	sst s10  }
0x38: {  	s10 =	sld [smem:$0x3FB9]  }
0x39: {  	_ = 	snop;
	(pc) =	sbr.ind lr, $3  }
0x3a: {  	_ = 	snop  }
0x3b: {  	_ = 	snop  }
0x3c: {  	p2 =	seq.s32 s10, $0x1;
	s10 =	sld [smem:$0x3FB8]  }
0x3d: {  	_ =	shalt  }
0x3e: {  	_ =	shalt  }
0x3f: {  	_ =	shalt  }
0x40: {  	_ =	shalt  }
0x41: {  	_ =	shalt  }
0x42: {  	_ =	shalt  }
0x43: {  	_ =	shalt  }
0x44: {  	_ =	shalt  }
0x45: {  	_ =	shalt  }
0x46: {  	_ =	shalt  }
0x47: {  	_ =	shalt  }
0x48: {  	_ =	shalt  }
0x49: {  	_ =	shalt  }
0x4a: {  	_ =	shalt  }
0x4b: {  	_ =	shalt  }
0x4c: {  	_ =	shalt  }
0x4d: {  	_ =	shalt  }
0x4e: {  	_ =	shalt  }
0x4f: {  	_ =	shalt  }
0x50: {  	_ =	shalt  }
0x51: {  	_ =	shalt  }
0x52: {  	_ =	shalt  }
0x53: {  	_ =	shalt  }
0x54: {  	_ =	shalt  }
0x55: {  	_ =	shalt  }
0x56: {  	_ =	shalt  }
0x57: {  	_ =	shalt  }
0x58: {  	_ =	shalt  }
0x59: {  	_ =	shalt  }
0x5a: {  	_ =	shalt  }
0x5b: {  	_ =	shalt  }
0x5c: {  	_ =	shalt  }
0x5d: {  	_ =	shalt  }
0x5e: {  	_ =	shalt  }
0x5f: {  	_ =	shalt  }
0x60: {  	_ =	shalt  }
0x61: {  	_ =	shalt  }
0x62: {  	_ =	shalt  }
0x63: {  	_ =	shalt  }
0x64: {  	_ =	shalt  }
0x65: {  	_ =	shalt  }
0x66: {  	_ =	shalt  }
0x67: {  	_ =	shalt  }
0x68: {  	_ =	shalt  }
0x69: {  	_ =	shalt  }
0x6a: {  	_ =	shalt  }
0x6b: {  	_ =	shalt  }
0x6c: {  	_ =	shalt  }
0x6d: {  	_ =	shalt  }
0x6e: {  	_ =	shalt  }
0x6f: {  	_ =	shalt  }
0x70: {  	_ =	shalt  }
0x71: {  	_ =	shalt  }
0x72: {  	_ =	shalt  }
0x73: {  	_ =	shalt  }
0x74: {  	_ =	shalt  }
0x75: {  	_ =	shalt  }
0x76: {  	_ =	shalt  }
0x77: {  	_ =	shalt  }
0x78: {  	_ =	shalt  }
0x79: {  	_ =	shalt  }
0x7a: {  	_ =	shalt  }
0x7b: {  	_ =	shalt  }
0x7c: {  	_ =	shalt  }
0x7d: {  	_ =	shalt  }
0x7e: {  	_ =	shalt  }
0x7f: {  	_ =	shalt  }
0x80: {  	_ =	shalt  }
0x81: {  	_ =	shalt  }
0x82: {  	_ =	shalt  }
0x83: {  	_ =	shalt  }
0x84: {  	_ =	shalt  }
0x85: {  	_ =	shalt  }
0x86: {  	_ =	shalt  }
0x87: {  	_ =	shalt  }
.Lfunc_end0:
.L_simem_size_0:
called_computation.2_lowered:
.L_overlay_start_0:
0x88: {  	s2 =	sld [smem:$0x3FD9]  }
0x89: {  	s3 =	sld [smem:$0x3FFE];
	_ =	sdelay $0x1  }
0x8a: {  	s1 =	srdreg.scid  }
0x8b: {  	s0 =	sand.u32 $0x1, s1  }
0x8c: {  	s16 =	sshll.u32 s0, $0xA;
	s2 =	sadd.s32 s3, s2  }
0x8d: {  	s2 =	sadd.s32 s2, s16  }
0x8e: {  	[smem:$0x3FC4] =	sst s2  }
0x8f: {  	_ = 	snop  }
0x90: {  	(tm) =	ssettm $0x1  }
0x91: {  	s17 =	sld [smem:$0x3FFB];
	_ =	sdelay $0x3  }
0x92: {  	_ =	strace s17  }
0x93: {  	s2 =	sld [smem:$0x3FFC];
	_ =	sdelay $0x3  }
0x94: {  	_ =	strace s2  }
0x95: {  	s2 =	sld [smem:$0x3FFD];
	_ =	sdelay $0x3  }
0x96: {  	_ =	strace s2  }
0x97: {  	_ =	strace $0x8FFFFFFF  }
0x98: {  	s18 =	sld [smem:$0x3FDB];
	_ =	sdelay $0x1  }
0x99: {  	s19 =	simm.s32 $_scs_section_size  }
0x9a: {  	s4 =	simm.s32 $_size__tile_overlayer_lowered;
	s5 =	simm.s32 $_tile_overlayer_lowered  }
0x9b: {  	s22 =	simm.s32 $0x1BFF;
	s21 =	sshll.u32 s5, $0x1;
	s2 =	sadd.s32 s19, s18  }
0x9c: {  	s6 =	simm.s32 $0x0;
	s20 =	sshll.u32 s4, $0x1;
	s4 =	sadd.s32 s21, s2  }
0x9d: {  	[timem:s6], [sflag:s22] =	dma.local [hbm:s4], s20  }
0x9e: {  	_ =	swait.ge [sflag:s22], s20  }
0x9f: {  	s3 =	ssub.s32 $0x0, s20;
	[sflag:s22] =	ssyncset.done $0x0  }
0xa0: {  	[sflag:s22] =	ssyncadd.s32 s3;
	_ =	sdelay $0x1  }
0xa1: {  	s23 =	simm.s32 $0x1B8B  }
0xa2: {  	_ =	swait.ge [sflag:s23], $0x1  }
0xa3: {  	[sflag:s23] =	ssyncset.done $0x0  }
0xa4: {  	s25 =	simm.s32 $0x1B8E;
	s24 =	sld [smem:$0x3FFE];
	[sflag:s23] =	ssyncadd.s32 $0xFFFFFFFF  }
0xa5: {  	s26 =	simm.s32 $execute0_lowered;
	[smem:$0x3FD2] =	sst s25  }
0xa6: {  	s4 =	sshll.u32 s26, $0x1;
	_ =	strace $0x80000049;
	[dreg:$0x1] =	wrdreg $0xFFFFFFFF  }
0xa7: {  	s28 =	simm.s32 $_size_execute0_lowered;
	s2 =	sadd.s32 s2, s4;
	[dreg:$0x0] =	wrdreg $0x0  }
0xa8: {  	s4 =	sshll.u32 s28, $0x1;
	[dreg:$0x2] =	wrdreg s2  }
0xa9: {  	[dreg:$0x3] =	wrdreg s4  }
0xaa: {  	[dreg:$0x4] =	wrdreg $0xC0  }
0xab: {  	_ =	task [dreg:s6], $0x5FFFF  }
0xac: {  	[dreg:$0x1] =	wrdreg $0xFFFFFFFF  }
0xad: {  	[dreg:$0x0] =	wrdreg $0x60  }
0xae: {  	[dreg:$0x2] =	wrdreg s24  }
0xaf: {  	[dreg:$0x3] =	wrdreg $0xA  }
0xb0: {  	_ =	task.clear_ibuf [dreg:s6], $0x4FFFF;
	_ =	strace $0x90000049  }
0xb1: {  	s29 =	simm.s32 $0xA;
	_ =	strace $0x8000004B  }
0xb2: {  	_ =	swait.ge [sflag:s29], $0x1  }
0xb3: {  	[sflag:s29] =	ssyncadd.s32 $0xFFFFFFFF  }
0xb4: {  	_ =	strace $0x9000004B  }
0xb5: {  	_ =	sfence  }
0xb6: {  	s30 =	sld [smem:$0x0];
	_ =	sdelay $0x2  }
0xb7: {  	s31 =	sshll.u32 s1, $0xD;
	s1 =	sshrl.u32 s1, $0x2  }
0xb8: {  	s3 =	sand.u32 $0x4000, s31;
	s1 =	sadd.s32 s1, s30  }
0xb9: {  	s0 =	sor.u32 s3, s0;
	s1 =	sshll.u32 s1, $0x11  }
0xba: {  	s0 =	sor.u32 s1, s0  }
0xbb: {  	s0 =	sadd.s32 $0x8F2B, s0  }
0xbc: {  	[sflag:s0] =	ssyncadd.remote.s32 $0x1  }
0xbd: {  	_ =	sfence.sel $0xFFFF  }
0xbe: {  	[dreg:$0x0] =	wrdreg $0xFFFFFFFF;
	(pc) =	sbr.abs _section_cstart, $3  }
0xbf: {  	[dreg:$0x1] =	wrdreg $0xFFFFFFFF  }
0xc0: {  	_ =	task.clear_ibuf [dreg:s6], $0x2FFFF;
	_ =	strace $0x9FFFFFFF  }
0xc1: {  	(tm) =	ssettm $0x7FFFFFFF  }
tec
execute0_lowered:
.L_overlay_start_1:
0x0: {  	(tag) =	ssettag $0x1  }
0x1: {  	s0 =	srdreg.scid;
	s5 =	rddreg [dreg:$0x0]  }
0x2: {  	s1 =	stileid.u32;
	s6 =	simm.s32 $0x1;
	s9 =	simm.s32 $0x1  }
0x3: {  	s10 =	simm.s32 $0x3;
	s13 =	simm.s32 $0x0;
	s2 =	sshll.u32 s0, $0x8  }
0x4: {  	s12 =	simm.s32 $0x0;
	s3 =	sshll.u32 s1, $0x9;
	s2 =	sand.u32 $0x100, s2  }
0x5: {  	s0 =	rddreg [dreg:$0x1];
	_ =	strace $0x8000004A;
	s2 =	sor.u32 s3, s2  }
0x6: {  	s4 =	sadd.s32 $0x1400, s5;
	[sflag:s6] =	ssyncpa.u1 $0x0;
	s8 =	ssub.s32 $0x4000, s2  }
.Ltmp0:
0x7: {  	s3 =	sadd.s32 $0xC00, s5;
	s7 =	sand.u32 $0x1F00, s8;
	(pc) =	sbr.rel .LBB2_1-.Ltmp0, $4  }
0x8: {  	s5 =	sadd.s32 $0xF44000, s5;
	s11 =	smov.u32 s2;
	p0 =	sne.s32 s7, $0x0  }
0x9: {  	s8 =	sshrl.u32 s8, $0xD;
	s7 =	simm.s32 $0x2;
	s9 =	simm.s32 @!p0 $0x0  }
0xa: {  	[sflag:s7] =	ssyncpa.u1 $0x0;
	p0 =	por $0x0, $0x0;
	s8 =	sadd.s32 s9, s8  }
0xb: {  	vm0 =	vmmov $0xffff;
	[sflag:s10] =	ssyncpa.u1 $0x0;
	s10 =	simm.s32 $0x0;
	s9 =	sadd.s32 $0x1, s8  }
.LBB2_4:
0xc: {  	v2 =	vnsel vm1, $0x0, v2  }
0xd: {  	vm1 =	vgt.s32 v0, $0x0;
	v2 =	vmin.u32 v2, $0x3FFF  }
0xe: {  	v0 =	vnsel vm1, $0x0, v0  }
0xf: {  	v0 =	vmin.u32 v0, $0x3FFF  }
0x10: {  	[tilespmem:s15], [sflag:$0x1] =	stream.indirect_vreg.gather [hbm4b:s3+s10], $0x1, v1, vm0, $0x4038;
	[tilespmem:$0x400] =	vst v63  }
0x11: {  	(ifvalue) =	ssetifvalue $0x7FFFFFFF  }
0x12: {  	[tilespmem:s16], [sflag:$0x1] =	stream.indirect_vreg.gather [hbm4b:s3+s10], $0x1, v2, vm0, $0x4038;
	[tilespmem:$0x400] =	vst v63  }
0x13: {  	s29 =	sadd.s32 $0x10, s16;
	(ifvalue) =	ssetifvalue $0x7FFFFFFF  }
0x14: {  	[tilespmem:s29], [sflag:$0x1] =	stream.indirect_vreg.gather [hbm4b:s3+s10], $0x1, v0, vm0, $0x4038;
	[tilespmem:$0x400] =	vst v63  }
0x15: {  	_ =	swait.ge [sflag:s6], $0x100  }
0x16: {  	s30 =	sshrl.u32 s13, $0x3;
	[sflag:s6] =	ssyncset.done $0x0  }
0x17: {  	s31 =	sand.u32 $0x7, s13;
	s15 =	sadd.s32 s5, s30;
	[sflag:s6] =	ssyncadd.s32 $0xFFFFFF00  }
0x18: {  	[hbm4b:s15+s31] =	stream.linear.scatter [tilespmem:s14], [sflag:$0x3], $0x100, $0x38;
	[tilespmem:$0x400] =	vst v63  }
.LBB2_5:
0x19: {  	s15 =	sadd.s32 $0x2000, s11  }
0x1a: {  	p2 =	sgt.s32 s15, $0x3FFF  }
0x1b: {  	s15 =	smov.u32 @p2 s2;
	p2 =	sne.s32 s12, s9  }
.Ltmp1:
0x1c: {  	p1 =	slt.u32 s12, $0x2;
	(pc) =	sbr.rel @!p2 .LBB2_6-.Ltmp1, $4  }
0x1d: {  	s14 =	simm.s32 @!p1 $0x3  }
0x1e: {  	s16 =	sadd.s32 $0x1, s12;
	_ =	swait.ge @!p1 [sflag:s14], $0x100  }
0x1f: {  	s13 =	smov.u32 s11;
	p0 =	por !p0, !p0;
	[sflag:s14] =	ssyncset.done @!p1 $0x0  }
0x20: {  	s12 =	smov.u32 s16;
	s11 =	smov.u32 s15;
	[sflag:s14] =	ssyncadd.s32 @!p1 $0xFFFFFF00  }
.LBB2_1:
0x21: {  	p1 =	sge.u32 s12, s8  }
0x22: {  	s14 =	sxor.u32 @!p1 $0xFFFFFFFF, s12  }
0x23: {  	s31 =	sadd.s32 $0xFFFFFFFF, s12;
	s15 =	sshrl.u32 @!p1 s11, $0x3;
	s14 =	sshll.u32 @!p1 s14, $0x8  }
0x24: {  	s16 =	sand.u32 @!p1 $0x7, s11;
	s15 =	sadd.s32 @!p1 s4, s15;
	s14 =	sand.u32 @!p1 $0x100, s14  }
0x25: {  	[tilespmem:s14], [sflag:$0x2] =	stream.linear.gather @!p1 [hbm4b:s15+s16], $0x100, $0x38;
	[tilespmem:$0x400] =	vst v63  }
0x26: {  	p1 =	sge.u32 s31, s8  }
.Ltmp2:
0x27: {  	_ = 	snop;
	(pc) =	sbr.rel @p1 .LBB2_5-.Ltmp2, $1  }
0x28: {  	_ =	sdelay $0x3  }
0x29: {  	s14 =	simm.s32 $0x1  }
0x2a: {  	_ =	swait.ge [sflag:s7], $0x100;
	s14 =	simm.s32 @!p0 $0x0  }
0x2b: {  	[sflag:s7] =	ssyncset.done $0x0;
	s14 =	sshll.u32 s14, $0x8  }
0x2c: {  	[sflag:s7] =	ssyncadd.s32 $0xFFFFFF00;
	(ifvalue) =	ssetifvalue $0x7FFFFFFF;
	v0 =	vld.msk [tilespmem:s14+$0x0 ss:$0x1], $0xffff;
	_ =	sdelay $0x4  }
0x2d: {  	s15 =	sadd.s32 $0x10, s14;
	vm1 =	vgt.s32 v0, $0x0  }
0x2e: {  	v2 =	vld.msk [tilespmem:s15+$0x0 ss:$0x1], $0xffff;
	v1 =	vnsel vm1, $0x0, v0  }
0x2f: {  	v1 =	vmin.u32 v1, $0x3FFF;
	_ =	sdelay $0x1  }
0x30: {  	s16 =	sshll.u32 s12, $0x8;
	s18 =	simm.s32 $0x20  }
0x31: {  	s16 =	sand.u32 $0x100, s16;
	s17 =	sadd.s32 $0x10, s15;
	s15 =	sor.u32 $0x200, s14  }
0x32: {  	s14 =	sor.u32 $0x200, s16;
	s16 =	sadd.s32 $0x10, s15;
	v0 =	vld.msk [tilespmem:s17+$0x0 ss:$0x1], $0xffff;
	vm1 =	vgt.s32 v2, $0x0;
	(ifvalue) =	ssetifvalue $0x7FFFFFFF  }
.LBB2_3:
0x33: {  	[tilespmem:s15], [sflag:$0x1] =	stream.indirect_vreg.gather [hbm4b:s3+s10], $0x1, v1, vm0, $0x4038;
	[tilespmem:$0x400] =	vst v63  }
0x34: {  	s18 =	sadd.s32 $0x10, s18  }
0x35: {  	v2 =	vnsel vm1, $0x0, v2;
	p1 =	slt.u32 s18, $0xF0  }
.Ltmp3:
0x36: {  	s15 =	smov.u32 s16;
	v1 =	vmin.u32 v2, $0x3FFF;
	(pc) =	sbr.rel @p1 .LBB2_3-.Ltmp3, $3  }
0x37: {  	_ =	sdelay $0x1  }
0x38: {  	s17 =	sadd.s32 $0x10, s17  }
0x39: {  	vm1 =	vgt.s32 v0, $0x0;
	s16 =	sadd.s32 $0x10, s16;
	v2 =	vmov v0;
	(ifvalue) =	ssetifvalue $0x7FFFFFFF;
	v0 =	vld.msk [tilespmem:s17+$0x0 ss:$0x1], $0xffff  }
.Ltmp4:
0x3a: {  	_ = 	snop;
	(pc) =	sbr.rel .LBB2_4-.Ltmp4, $1  }
0x3b: {  	_ =	sdelay $0x3  }
.LBB2_6:
0x3c: {  	_ =	sfence.sel $0x180000  }
0x3d: {  	s2 =	simm.s32 $0x2;
	[bflag:$0x0] =	sbarrier.arrive $0xFFFF  }
0x3e: {  	s30 =	simm.s32 $0x3;
	[sflag:s2] =	ssyncpa.u1 $0x1  }
0x3f: {  	s31 =	simm.s32 $0x1;
	[sflag:s30] =	ssyncpa.u1 $0x1  }
0x40: {  	[sflag:s31] =	ssyncpa.u1 $0x1  }
0x41: {  	p0 =	sne.s32 s1, $0x0;
	_ =	strace $0x9000004A  }
0x42: {  	s0 =	sadd.s32 @!p0 $0x100000, s0;
	[bflag:$0x2] =	sbarrier.arrive $0xFFFF  }
0x43: {  	[sflag:s0] =	ssyncadd.tile.s32 @!p0 $0x1;
	_ =	shalt  }
.Lfunc_end2:
_tile_overlayer_lowered:
.L_overlay_start_2:
0x44: {  	(tag) =	ssettag $0x2  }
0x45: {  	s0 =	rddreg [dreg:$0x0];
	s2 =	stileid.u32  }
0x46: {  	s1 =	rddreg [dreg:$0x1];
	p0 =	sne.s32 s2, $0x0  }
0x47: {  	s3 =	rddreg [dreg:$0x2];
	[bflag:$0x3] =	sbarrier.arrive $0xFFFF;
	s2 =	simm.s32 @!p0 $0x1C01  }
0x48: {  	[timem:s3], [sflag:s2] =	dma.local @!p0 [hbm:s0], s1  }
0x49: {  	s0 =	simm.s32 @!p0 $0x1  }
0x4a: {  	_ =	swait.ge @!p0 [sflag:s0], s1  }
0x4b: {  	s1 =	ssub.s32 @!p0 $0x0, s1;
	[sflag:s0] =	ssyncset.done @!p0 $0x0  }
0x4c: {  	[sflag:s0] =	ssyncadd.s32 @!p0 s1  }
0x4d: {  	[bflag:$0x3] =	sbarrier.arrive $0xFFFF  }
0x4e: {  	_ =	shalt  }

// kernel: gather_offload_async_start
scs
__scs_entry_jumppad:
0x0: {  	(pc) =	sbr.rel $0x88, $3  }
0x1: {  	(tag) =	ssettag $0x0;
	lr =	simm.s32 $0x1  }
0x2: {  	[smem:$0x3F9D] =	sst lr;
	_ =	strace $0xD0000000  }
0x3: {  	_ = 	snop  }
0x4: {  	_ = 	snop  }
0x5: {  	_ = 	snop  }
0x6: {  	_ = 	snop  }
0x7: {  	_ = 	snop  }
__scs_overlays_trampoline_lowered:
0x8: {  	[smem:$0x3FAC] =	sst s0  }
0x9: {  	[smem:$0x3FAD] =	sst s1  }
0xa: {  	[smem:$0x3FAE] =	sst s2  }
0xb: {  	[smem:$0x3FAF] =	sst s3  }
0xc: {  	[smem:$0x3FB0] =	sst s4  }
0xd: {  	[smem:$0x3FB1] =	sst s5  }
0xe: {  	[smem:$0x3FB2] =	sst s6  }
0xf: {  	[smem:$0x3FB3] =	sst s7  }
0x10: {  	[smem:$0x3FB4] =	sst s8  }
0x11: {  	[smem:$0x3FB5] =	sst s9;
	s0 =	simm.s32 @!p0 $0x0  }
0x12: {  	s1 =	sld [smem:$0x3F9B];
	s0 =	simm.s32 @p0 $0x1  }
0x13: {  	[smem:$0x3FB6] =	sst s0;
	s0 =	simm.s32 @!p1 $0x0  }
0x14: {  	s2 =	sld [smem:$0x3F9A];
	s0 =	simm.s32 @p1 $0x1  }
0x15: {  	[smem:$0x3FB7] =	sst s0;
	s0 =	simm.s32 @!p2 $0x0  }
0x16: {  	s3 =	sld [smem:$0x3FDB];
	s0 =	simm.s32 @p2 $0x1  }
0x17: {  	s4 =	simm.s32 $0x1BF5;
	[smem:$0x3FB9] =	sst s0  }
0x18: {  	s0 =	sld [smem:$0x3F9C];
	_ =	swait.ge [sflag:s4], $0x0  }
0x19: {  	s7 =	sld [smem:$0x3F9D]  }
0x1a: {  	s8 =	sadd.s32 $0xFFFFE003, lr  }
0x1b: {  	s9 =	sadd.s32 $0xFFFFFEF7, lr;
	s5 =	simm.s32 $0xFFFFFFFF;
	p2 =	slt.u32 s8, $0xFFFFF086  }
0x1c: {  	p1 =	slt.u32 s9, $0xF7A;
	s5 =	simm.s32 @!p2 $0x0  }
0x1d: {  	s5 =	simm.s32 @p1 $0x1;
	p0 =	seq.s32 s7, s2  }
0x1e: {  	s7 =	smul.u32 @!p0 $0xF7A, s2;
	p2 =	seq.s32 @!p0 s5, $0x0  }
0x1f: {  	s9 =	smul.u32 $0xF7A, s1;
	s8 =	simm.s32 @!p0 $0x1BF5;
	p2 =	por !p2, p0  }
0x20: {  	[sflag:s8] =	ssyncset.s32 @!p0 $0xFFFFF086;
	s6 =	sadd.s32 @!p0 s3, s7;
	s7 =	simm.s32 @!p0 $0x108  }
0x21: {  	s3 =	sadd.s32 s3, s9;
	s6 =	sadd.s32 @!p0 $0x88, s6;
	s7 =	simm.s32 @p2 $0x1082  }
0x22: {  	[simem:s7], [sflag:s8] =	dma.local @!p0 [hbm:s6], $0xF7A  }
0x23: {  	s9 =	sor.u32 $0xD0000000, s2;
	s6 =	simm.s32 $0x108;
	_ =	swait.ge @!p0 [sflag:s8], $0x0  }
0x24: {  	s3 =	sadd.s32 $0x88, s3;
	s6 =	simm.s32 @!p1 $0x1082;
	[sflag:s4] =	ssyncset.s32 $0xFFFFF086  }
0x25: {  	[simem:s6], [sflag:s4] =	dma.local [hbm:s3], $0xF7A  }
0x26: {  	[smem:$0x3F9D] =	sst s1;
	(tag) =	ssettag s2;
	_ =	strace s9  }
0x27: {  	s1 =	sld [smem:$0x3FAD]  }
0x28: {  	s2 =	sld [smem:$0x3FAE]  }
0x29: {  	s4 =	sld [smem:$0x3FB0]  }
0x2a: {  	p0 =	seq.s32 s5, $0x0;
	s5 =	sld [smem:$0x3FB1]  }
0x2b: {  	s6 =	sld [smem:$0x3FB2]  }
0x2c: {  	s7 =	sld [smem:$0x3FB3]  }
0x2d: {  	s3 =	simm.s32 $0x108;
	s8 =	sld [smem:$0x3FB4]  }
0x2e: {  	s3 =	simm.s32 @!p0 $0x1082;
	s9 =	sld [smem:$0x3FB5]  }
0x2f: {  	lr =	sadd.s32 s0, s3;
	s0 =	sld [smem:$0x3FAC]  }
0x30: {  	s3 =	sld [smem:$0x3FAF]  }
0x31: {  	[smem:$0x3FB8] =	sst s10  }
0x32: {  	s10 =	sld [smem:$0x3FB6];
	_ =	sdelay $0x3  }
0x33: {  	p0 =	seq.s32 s10, $0x1;
	s10 =	sld [smem:$0x3FB8];
	_ =	sdelay $0x3  }
0x34: {  	[smem:$0x3FB8] =	sst s10  }
0x35: {  	s10 =	sld [smem:$0x3FB7];
	_ =	sdelay $0x3  }
0x36: {  	p1 =	seq.s32 s10, $0x1;
	s10 =	sld [smem:$0x3FB8];
	_ =	sdelay $0x3  }
0x37: {  	[smem:$0x3FB8] =	sst s10  }
0x38: {  	s10 =	sld [smem:$0x3FB9]  }
0x39: {  	_ = 	snop;
	(pc) =	sbr.ind lr, $3  }
0x3a: {  	_ = 	snop  }
0x3b: {  	_ = 	snop  }
0x3c: {  	p2 =	seq.s32 s10, $0x1;
	s10 =	sld [smem:$0x3FB8]  }
0x3d: {  	_ =	shalt  }
0x3e: {  	_ =	shalt  }
0x3f: {  	_ =	shalt  }
0x40: {  	_ =	shalt  }
0x41: {  	_ =	shalt  }
0x42: {  	_ =	shalt  }
0x43: {  	_ =	shalt  }
0x44: {  	_ =	shalt  }
0x45: {  	_ =	shalt  }
0x46: {  	_ =	shalt  }
0x47: {  	_ =	shalt  }
0x48: {  	_ =	shalt  }
0x49: {  	_ =	shalt  }
0x4a: {  	_ =	shalt  }
0x4b: {  	_ =	shalt  }
0x4c: {  	_ =	shalt  }
0x4d: {  	_ =	shalt  }
0x4e: {  	_ =	shalt  }
0x4f: {  	_ =	shalt  }
0x50: {  	_ =	shalt  }
0x51: {  	_ =	shalt  }
0x52: {  	_ =	shalt  }
0x53: {  	_ =	shalt  }
0x54: {  	_ =	shalt  }
0x55: {  	_ =	shalt  }
0x56: {  	_ =	shalt  }
0x57: {  	_ =	shalt  }
0x58: {  	_ =	shalt  }
0x59: {  	_ =	shalt  }
0x5a: {  	_ =	shalt  }
0x5b: {  	_ =	shalt  }
0x5c: {  	_ =	shalt  }
0x5d: {  	_ =	shalt  }
0x5e: {  	_ =	shalt  }
0x5f: {  	_ =	shalt  }
0x60: {  	_ =	shalt  }
0x61: {  	_ =	shalt  }
0x62: {  	_ =	shalt  }
0x63: {  	_ =	shalt  }
0x64: {  	_ =	shalt  }
0x65: {  	_ =	shalt  }
0x66: {  	_ =	shalt  }
0x67: {  	_ =	shalt  }
0x68: {  	_ =	shalt  }
0x69: {  	_ =	shalt  }
0x6a: {  	_ =	shalt  }
0x6b: {  	_ =	shalt  }
0x6c: {  	_ =	shalt  }
0x6d: {  	_ =	shalt  }
0x6e: {  	_ =	shalt  }
0x6f: {  	_ =	shalt  }
0x70: {  	_ =	shalt  }
0x71: {  	_ =	shalt  }
0x72: {  	_ =	shalt  }
0x73: {  	_ =	shalt  }
0x74: {  	_ =	shalt  }
0x75: {  	_ =	shalt  }
0x76: {  	_ =	shalt  }
0x77: {  	_ =	shalt  }
0x78: {  	_ =	shalt  }
0x79: {  	_ =	shalt  }
0x7a: {  	_ =	shalt  }
0x7b: {  	_ =	shalt  }
0x7c: {  	_ =	shalt  }
0x7d: {  	_ =	shalt  }
0x7e: {  	_ =	shalt  }
0x7f: {  	_ =	shalt  }
0x80: {  	_ =	shalt  }
0x81: {  	_ =	shalt  }
0x82: {  	_ =	shalt  }
0x83: {  	_ =	shalt  }
0x84: {  	_ =	shalt  }
0x85: {  	_ =	shalt  }
0x86: {  	_ =	shalt  }
0x87: {  	_ =	shalt  }
.Lfunc_end0:
.L_simem_size_0:
called_computation_lowered:
.L_overlay_start_0:
0x88: {  	s2 =	sld [smem:$0x3FD9]  }
0x89: {  	s3 =	sld [smem:$0x3FFE];
	_ =	sdelay $0x1  }
0x8a: {  	s1 =	srdreg.scid  }
0x8b: {  	s0 =	sand.u32 $0x1, s1  }
0x8c: {  	s17 =	sshll.u32 s0, $0xA;
	s2 =	sadd.s32 s3, s2  }
0x8d: {  	s2 =	sadd.s32 s2, s17  }
0x8e: {  	[smem:$0x3FC4] =	sst s2  }
0x8f: {  	_ = 	snop  }
0x90: {  	(tm) =	ssettm $0x1  }
0x91: {  	s18 =	sld [smem:$0x3FFB];
	_ =	sdelay $0x3  }
0x92: {  	_ =	strace s18  }
0x93: {  	s2 =	sld [smem:$0x3FFC];
	_ =	sdelay $0x3  }
0x94: {  	_ =	strace s2  }
0x95: {  	s2 =	sld [smem:$0x3FFD];
	_ =	sdelay $0x3  }
0x96: {  	_ =	strace s2  }
0x97: {  	_ =	strace $0x8FFFFFFF  }
0x98: {  	s19 =	sld [smem:$0x3FDB];
	_ =	sdelay $0x1  }
0x99: {  	s20 =	simm.s32 $_scs_section_size  }
0x9a: {  	s4 =	simm.s32 $_size__tile_overlayer_lowered;
	s5 =	simm.s32 $_tile_overlayer_lowered  }
0x9b: {  	s6 =	simm.s32 $0x1BFF;
	s21 =	sshll.u32 s5, $0x1;
	s3 =	sadd.s32 s20, s19  }
0x9c: {  	s22 =	simm.s32 $0x0;
	s4 =	sshll.u32 s4, $0x1;
	s5 =	sadd.s32 s21, s3  }
0x9d: {  	[timem:s22], [sflag:s6] =	dma.local [hbm:s5], s4  }
0x9e: {  	_ =	swait.ge [sflag:s6], s4  }
0x9f: {  	s4 =	ssub.s32 $0x0, s4;
	[sflag:s6] =	ssyncset.done $0x0  }
0xa0: {  	[sflag:s6] =	ssyncadd.s32 s4;
	_ =	sdelay $0x1  }
0xa1: {  	s23 =	simm.s32 $0x1B8B  }
0xa2: {  	_ =	swait.ge [sflag:s23], $0x1  }
0xa3: {  	[sflag:s23] =	ssyncset.done $0x0  }
0xa4: {  	[sflag:s23] =	ssyncadd.s32 $0xFFFFFFFF  }
0xa5: {  	s4 =	sld [smem:$0x0]  }
0xa6: {  	s5 =	sand.u32 $0xFFFFFFFE, s1  }
0xa7: {  	p0 =	sne.s32 s1, s5  }
0xa8: {  	s5 =	sshll.u32 @p0 s5, $0xE  }
0xa9: {  	s5 =	sadd.s32 @p0 $0x11B8D, s5;
	s6 =	sshll.u32 @p0 s4, $0x11  }
0xaa: {  	s5 =	sor.u32 @p0 s6, s5  }
0xab: {  	[sflag:s5] =	ssyncadd.remote.s32 @p0 $0x1;
	_ =	sdelay $0x1  }
0xac: {  	s5 =	simm.s32 @p0 $0x1B8D  }
0xad: {  	_ =	swait.eq @p0 [sflag:s5], $0x1  }
0xae: {  	[sflag:s5] =	ssyncadd.s32 @p0 $0xFFFFFFFF  }
0xaf: {  	s6 =	sshll.u32 @!p0 s1, $0xE  }
0xb0: {  	s6 =	sor.u32 @!p0 $0x4000, s6;
	s5 =	simm.s32 @!p0 $0x1B8D  }
0xb1: {  	s4 =	sshll.u32 @!p0 s4, $0x11;
	s6 =	sadd.s32 @!p0 $0x11B8D, s6;
	_ =	swait.eq @!p0 [sflag:s5], $0x1  }
0xb2: {  	s4 =	sor.u32 @!p0 s4, s6;
	[sflag:s5] =	ssyncadd.s32 @!p0 $0xFFFFFFFF  }
0xb3: {  	s25 =	simm.s32 $0x1B8E;
	s24 =	sld [smem:$0x3FFE];
	[sflag:s4] =	ssyncadd.remote.s32 @!p0 $0x1  }
0xb4: {  	s26 =	simm.s32 $execute0_lowered;
	[smem:$0x3FD2] =	sst s25  }
0xb5: {  	s5 =	sshll.u32 s26, $0x1;
	_ =	strace $0x8000004C;
	[dreg:$0x1] =	wrdreg $0xFFFFFFFF  }
0xb6: {  	s28 =	simm.s32 $_size_execute0_lowered;
	s3 =	sadd.s32 s3, s5;
	[dreg:$0x0] =	wrdreg $0x0  }
0xb7: {  	s5 =	sshll.u32 s28, $0x1;
	[dreg:$0x2] =	wrdreg s3  }
0xb8: {  	[dreg:$0x3] =	wrdreg s5  }
0xb9: {  	[dreg:$0x4] =	wrdreg $0xC0  }
0xba: {  	_ =	task [dreg:s22], $0x5FFFF  }
0xbb: {  	[dreg:$0x1] =	wrdreg $0xFFFFFFFF  }
0xbc: {  	[dreg:$0x0] =	wrdreg $0x60  }
0xbd: {  	[dreg:$0x2] =	wrdreg s24  }
0xbe: {  	[dreg:$0x3] =	wrdreg $0x9  }
0xbf: {  	_ =	task.clear_ibuf [dreg:s22], $0x4FFFF;
	_ =	strace $0x9000004C  }
0xc0: {  	s29 =	simm.s32 $0x9;
	_ =	strace $0x8000004E  }
0xc1: {  	_ =	swait.ge [sflag:s29], $0x1  }
0xc2: {  	[sflag:s29] =	ssyncadd.s32 $0xFFFFFFFF  }
0xc3: {  	_ =	strace $0x9000004E  }
0xc4: {  	_ =	sfence  }
0xc5: {  	s30 =	sld [smem:$0x0];
	_ =	sdelay $0x2  }
0xc6: {  	s31 =	sshll.u32 s1, $0xD;
	s1 =	sshrl.u32 s1, $0x2  }
0xc7: {  	s4 =	sand.u32 $0x4000, s31;
	s1 =	sadd.s32 s1, s30  }
0xc8: {  	s0 =	sor.u32 s4, s0;
	s1 =	sshll.u32 s1, $0x11  }
0xc9: {  	s0 =	sor.u32 s1, s0  }
0xca: {  	s0 =	sadd.s32 $0x8F2B, s0  }
0xcb: {  	[sflag:s0] =	ssyncadd.remote.s32 $0x1  }
0xcc: {  	_ =	sfence.sel $0xFFFF  }
0xcd: {  	[dreg:$0x0] =	wrdreg $0xFFFFFFFF;
	(pc) =	sbr.abs _section_cstart, $3  }
0xce: {  	[dreg:$0x1] =	wrdreg $0xFFFFFFFF  }
0xcf: {  	_ =	task.clear_ibuf [dreg:s22], $0x2FFFF;
	_ =	strace $0x9FFFFFFF  }
0xd0: {  	(tm) =	ssettm $0x7FFFFFFF  }
0xd1: {  	_ =	shalt  }
tec
execute0_lowered:
.L_overlay_start_1:
0x0: {  	(tag) =	ssettag $0x1  }
0x1: {  	s7 =	rddreg [dreg:$0x0]  }
0x2: {  	s0 =	rddreg [dreg:$0x1];
	_ =	strace $0x8000004D  }
0x3: {  	s1 =	srdreg.scid;
	s4 =	simm.s32 $0x1;
	s9 =	simm.s32 $0x3  }
0x4: {  	s11 =	simm.s32 $0x0;
	p0 =	por $0x0, $0x0;
	s5 =	sshll.u32 s1, $0x4  }
.Ltmp0:
0x5: {  	s1 =	stileid.u32;
	s5 =	sand.u32 $0x10, s5;
	(pc) =	sbr.rel .LBB2_1-.Ltmp0, $4  }
0x6: {  	s2 =	sadd.s32 $0x1C00, s7;
	s3 =	sadd.s32 $0x400, s7;
	s6 =	sor.u32 s1, s5  }
0x7: {  	[sflag:s4] =	ssyncpa.u1 $0x0;
	s5 =	simm.s32 $0x2;
	s6 =	sshll.u32 s6, $0x9  }
0x8: {  	s7 =	sadd.s32 $0xF44800, s7;
	[sflag:s5] =	ssyncpa.u1 $0x0;
	s8 =	sadd.s32 $0x200, s6  }
0x9: {  	vm0 =	vmmov $0xff;
	vm1 =	vcmask $0x3F20;
	[sflag:s9] =	ssyncpa.u1 $0x0;
	s10 =	smov.u32 s6;
	s9 =	simm.s32 $0x0  }
.LBB2_7:
0xa: {  	p1 =	slt.u32 s9, $0x2;
	s11 =	sadd.s32 $0x100, s10  }
0xb: {  	s13 =	smov.u32 s6;
	s9 =	sadd.s32 $0x1, s9;
	p2 =	slt.s32 s11, s8  }
0xc: {  	s13 =	smov.u32 @p2 s11;
	p2 =	sne.s32 s9, $0x4  }
.Ltmp1:
0xd: {  	_ = 	snop;
	(pc) =	sbr.rel @!p2 .LBB2_8-.Ltmp1, $4  }
0xe: {  	s12 =	simm.s32 @!p1 $0x3  }
0xf: {  	_ =	swait.ge @!p1 [sflag:s12], $0x8000  }
0x10: {  	p0 =	por !p0, !p0;
	[sflag:s12] =	ssyncset.done @!p1 $0x0  }
0x11: {  	s11 =	smov.u32 s10;
	s10 =	smov.u32 s13;
	[sflag:s12] =	ssyncadd.s32 @!p1 $0xFFFF8000  }
.LBB2_1:
0x12: {  	p1 =	sgt.u32 s9, $0x1  }
0x13: {  	s12 =	sshll.u32 @!p1 s9, $0x8;
	s13 =	sshrl.u32 @!p1 s10, $0x3  }
0x14: {  	s14 =	sand.u32 @!p1 $0x7, s10;
	s12 =	sxor.u32 @!p1 $0x100, s12;
	s13 =	sadd.s32 @!p1 s3, s13  }
0x15: {  	[tilespmem:s12], [sflag:$0x2] =	stream.linear.gather @!p1 [hbm4b:s13+s14], $0x100, $0x38;
	[tilespmem:$0x10200] =	vst v63  }
0x16: {  	p1 =	seq.s32 s9, $0x0  }
0x17: {  	p2 =	seq.s32 @!p1 s9, $0x3  }
0x18: {  	p1 =	por p1, p2  }
.Ltmp2:
0x19: {  	_ = 	snop;
	(pc) =	sbr.rel @p1 .LBB2_7-.Ltmp2, $1  }
0x1a: {  	_ =	sdelay $0x3  }
0x1b: {  	s12 =	simm.s32 $0x1  }
0x1c: {  	_ =	swait.ge [sflag:s5], $0x100;
	s12 =	simm.s32 @!p0 $0x0  }
0x1d: {  	[sflag:s5] =	ssyncset.done $0x0;
	s14 =	sshll.u32 s12, $0x8  }
0x1e: {  	[sflag:s5] =	ssyncadd.s32 $0xFFFFFF00;
	s13 =	sadd.s32 $0x0, s14  }
0x1f: {  	v0 =	vld.msk [tilespmem:s13+$0x0 ss:$0x1], $0xffff;
	_ =	sdelay $0x4  }
0x20: {  	vm2 =	vgt.s32 v0, $0x0  }
0x21: {  	v0 =	vnsel vm2, $0x0, v0  }
0x22: {  	v0 =	vmin.u32 v0, $0xF423F  }
0x23: {  	v0 =	vshll.u32 v0, $0x4;
	_ =	sdelay $0x2  }
0x24: {  	s12 =	sshll.u32 s12, $0xF  }
0x25: {  	s12 =	sor.u32 $0x200, s12  }
0x26: {  	[tilespmem:s12], [sflag:$0x1] =	stream.indirect_vreg.gather [hbm:s2], $0x80, v0, vm0, $0x38;
	[tilespmem:$0x10200] =	vst v63  }
0x27: {  	s15 =	sadd.s32 $0x10, s14;
	s13 =	sadd.s32 $0x400, s12  }
0x28: {  	[tilespmem:s13], [sflag:$0x1] =	stream.indirect_vreg.gather [hbm:s2], $0x80, v0, vm1, $0x38;
	[tilespmem:$0x10200] =	vst v63  }
0x29: {  	s16 =	simm.s32 $0x80;
	v0 =	vld.msk [tilespmem:s15+$0x0 ss:$0x1], $0xffff;
	s15 =	smov.u32 s12  }
.LBB2_3:
0x2a: {  	p1 =	sne.s32 s16, $0x3C0;
	_ =	sdelay $0x4  }
0x2b: {  	vm2 =	vgt.s32 v0, $0x0  }
0x2c: {  	v0 =	vnsel vm2, $0x0, v0  }
0x2d: {  	v0 =	vmin.u32 v0, $0xF423F  }
0x2e: {  	v0 =	vshll.u32 v0, $0x4;
	_ =	sdelay $0x3  }
.Ltmp3:
0x2f: {  	s17 =	sshra.s32 s16, $0x2;
	s15 =	sadd.s32 $0x800, s15;
	(pc) =	sbr.rel @p1 .LBB2_3-.Ltmp3, $4  }
0x30: {  	[tilespmem:s15], [sflag:$0x1] =	stream.indirect_vreg.gather [hbm:s2], $0x80, v0, vm0, $0x38;
	[tilespmem:$0x10200] =	vst v63  }
0x31: {  	s17 =	sadd.s32 s17, s14;
	s18 =	sadd.s32 $0x400, s15  }
0x32: {  	[tilespmem:s18], [sflag:$0x1] =	stream.indirect_vreg.gather [hbm:s2], $0x80, v0, vm1, $0x38;
	[tilespmem:$0x10200] =	vst v63  }
0x33: {  	s16 =	sadd.s32 $0x40, s16;
	v0 =	vld.msk [tilespmem:s17+$0x0 ss:$0x1], $0xffff  }
0x34: {  	_ =	sdelay $0x3  }
0x35: {  	vm2 =	vgt.s32 v0, $0x0  }
0x36: {  	v0 =	vnsel vm2, $0x0, v0  }
0x37: {  	v0 =	vmin.u32 v0, $0xF423F  }
0x38: {  	v0 =	vshll.u32 v0, $0x4;
	_ =	sdelay $0x3  }
0x39: {  	s14 =	sadd.s32 $0x800, s15  }
0x3a: {  	[tilespmem:s14], [sflag:$0x1] =	stream.indirect_vreg.gather [hbm:s2], $0x80, v0, vm0, $0x38;
	[tilespmem:$0x10200] =	vst v63  }
0x3b: {  	s14 =	sadd.s32 $0x400, s14  }
0x3c: {  	[tilespmem:s14], [sflag:$0x1] =	stream.indirect_vreg.gather [hbm:s2], $0x80, v0, vm1, $0x38;
	[tilespmem:$0x10200] =	vst v63  }
0x3d: {  	s11 =	sshll.u32 s11, $0x4;
	_ =	swait.ge [sflag:s4], $0x8000  }
0x3e: {  	s11 =	sadd.s32 s11, s7;
	[sflag:s4] =	ssyncset.done $0x0  }
0x3f: {  	s15 =	sadd.s32 $0x0, s11;
	s14 =	simm.s32 $0x80;
	[sflag:s4] =	ssyncadd.s32 $0xFFFF8000  }
.LBB2_5:
0x40: {  	[hbm:s15] =	stream.linear.scatter [tilespmem:s12], [sflag:$0x3], $0x400, $0x38;
	[tilespmem:$0x10200] =	vst v63  }
0x41: {  	s15 =	smov.u32 s14;
	s12 =	smov.u32 s13;
	p1 =	sne.s32 s14, $0xF80  }
.Ltmp4:
0x42: {  	s14 =	sadd.s32 $0x80, s14;
	(pc) =	sbr.rel @p1 .LBB2_5-.Ltmp4, $2  }
0x43: {  	_ =	sdelay $0x2  }
0x44: {  	s13 =	sadd.s32 $0x400, s13;
	s15 =	sadd.s32 s15, s11  }
.Ltmp5:
0x45: {  	(pc) =	sbr.rel .LBB2_7-.Ltmp5, $2  }
0x46: {  	_ =	sdelay $0x2  }
0x47: {  	[hbm:s15] =	stream.linear.scatter [tilespmem:s12], [sflag:$0x3], $0x400, $0x38;
	[tilespmem:$0x10200] =	vst v63  }
.LBB2_8:
0x48: {  	_ =	sfence.sel $0x180000  }
0x49: {  	s2 =	simm.s32 $0x2;
	[bflag:$0x0] =	sbarrier.arrive $0xFFFF  }
0x4a: {  	s30 =	simm.s32 $0x3;
	[sflag:s2] =	ssyncpa.u1 $0x1  }
0x4b: {  	s31 =	simm.s32 $0x1;
	[sflag:s30] =	ssyncpa.u1 $0x1  }
0x4c: {  	[sflag:s31] =	ssyncpa.u1 $0x1  }
0x4d: {  	p0 =	sne.s32 s1, $0x0;
	_ =	strace $0x9000004D  }
0x4e: {  	s0 =	sadd.s32 @!p0 $0x100000, s0;
	[bflag:$0x2] =	sbarrier.arrive $0xFFFF  }
0x4f: {  	[sflag:s0] =	ssyncadd.tile.s32 @!p0 $0x1;
	_ =	shalt  }
.Lfunc_end2:
_tile_overlayer_lowered:
.L_overlay_start_2:
0x50: {  	(tag) =	ssettag $0x2  }
0x51: {  	s0 =	rddreg [dreg:$0x0];
	s2 =	stileid.u32  }
0x52: {  	s1 =	rddreg [dreg:$0x1];
	p0 =	sne.s32 s2, $0x0  }
0x53: {  	s3 =	rddreg [dreg:$0x2];
	[bflag:$0x3] =	sbarrier.arrive $0xFFFF;
	s2 =	simm.s32 @!p0 $0x1C01  }
0x54: {  	[timem:s3], [sflag:s2] =	dma.local @!p0 [hbm:s0], s1  }
0x55: {  	s0 =	simm.s32 @!p0 $0x1  }
0x56: {  	_ =	swait.ge @!p0 [sflag:s0], s1  }
0x57: {  	s1 =	ssub.s32 @!p0 $0x0, s1;
	[sflag:s0] =	ssyncset.done @!p0 $0x0  }
0x58: {  	[sflag:s0] =	ssyncadd.s32 @!p0 s1  }
0x59: {  	[bflag:$0x3] =	sbarrier.arrive $0xFFFF  }
0x5a: {  	_ =	shalt  }

</sc_bundles>
